<compile_context>
chip_gen: v7x
topology: tpu7x:2x2x1
jax: 0.10.2.dev20260603
libtpu: 0.0.44.dev20260713+nightly
codegen_flags: <defaults>
</compile_context>

<pallas_src>
import functools

import jax
import jax.numpy as jnp
from jax import lax
from jax.experimental import pallas as pl
from jax.experimental.pallas import tpu as pltpu
from jax.experimental.pallas import tpu_sc as plsc

N_NODE = 10000
E = 320000
B = 1024
D = 128
A = 64

NC = 2
NS = 16
NW = NC * NS
L = 16

CHUNK = 64
E_PER_TILE = 10240
E_PAD = E_PER_TILE * NW
NCHUNK = E_PER_TILE // CHUNK
NPAD = 10240
ROWS_PER_TILE = NPAD // NS
GROUPS = CHUNK // L


def _precompute_tc(hidden, gnn_emb_rel, Ws, Wr, Wqr, bqr2):
    n_uniq = gnn_emb_rel.shape[0]

    def body(h_ref, g_ref, ws_ref, wr_ref, wqr_ref, bqr_ref,
             ps_ref, prw_ref, prq_ref):
        dn = (((1,), (1,)), ((), ()))
        f32 = jnp.float32
        ps_ref[...] = lax.dot_general(h_ref[...], ws_ref[...], dn,
                                      preferred_element_type=f32)
        prw_ref[...] = lax.dot_general(g_ref[...], wr_ref[...], dn,
                                       preferred_element_type=f32)
        prq_ref[...] = lax.dot_general(g_ref[...], wqr_ref[...], dn,
                                       preferred_element_type=f32) + bqr_ref[...]

    return pl.pallas_call(
        body,
        out_shape=[
            jax.ShapeDtypeStruct((N_NODE, A), jnp.float32),
            jax.ShapeDtypeStruct((n_uniq, A), jnp.float32),
            jax.ShapeDtypeStruct((n_uniq, A), jnp.float32),
        ],
    )(hidden, gnn_emb_rel, Ws, Wr, Wqr, bqr2)


def _finish_tc(p0, p1, Wh):

    def body(p0_ref, p1_ref, wh_ref, o_ref):
        s = p0_ref[...] + p1_ref[...]
        o_ref[...] = lax.dot_general(s, wh_ref[...], (((1,), (1,)), ((), ())),
                                     preferred_element_type=jnp.float32)

    return pl.pallas_call(
        body,
        out_shape=jax.ShapeDtypeStruct((N_NODE, D), jnp.float32),
    )(p0, p1, Wh)


def _sc_edges(hid, ps, tr_tab, pr_tab, pq_tab, idx_all, wab):
    mesh = plsc.VectorSubcoreMesh(core_axis_name="c", subcore_axis_name="s")

    @functools.partial(
        pl.kernel,
        out_type=jax.ShapeDtypeStruct((NC, NPAD, D), jnp.float32),
        mesh=mesh,
        compiler_params=pltpu.CompilerParams(needs_layout_passes=False,
                                             use_tc_tiling_on_sc=False),
        scratch_types=[
            pltpu.VMEM_SHARED((NPAD, D), jnp.float32),
            pltpu.VMEM((2, 4, CHUNK), jnp.int32),
            pltpu.VMEM((2, CHUNK, D), jnp.float32),
            pltpu.VMEM((2, CHUNK, D), jnp.float32),
            pltpu.VMEM((CHUNK, A), jnp.float32),
            pltpu.VMEM((CHUNK, A), jnp.float32),
            pltpu.VMEM((CHUNK, A), jnp.float32),
            pltpu.VMEM((CHUNK,), jnp.float32),
            pltpu.VMEM((80,), jnp.float32),
            pltpu.SemaphoreType.DMA,
            pltpu.SemaphoreType.DMA,
            pltpu.SemaphoreType.DMA,
            pltpu.SemaphoreType.DMA,
            pltpu.SemaphoreType.DMA,
            pltpu.SemaphoreType.DMA,
            pltpu.SemaphoreType.DMA,
            pltpu.SemaphoreType.DMA,
            pltpu.SemaphoreType.DMA,
        ],
    )
    def k(hid_h, ps_h, tr_h, pr_h, pq_h, idx_h, wab_h,
          out_h, acc, idxv, hsv, hrv, psv, prv, pqv, alphav, wabv,
          si0, si1, shs0, shs1, shr0, shr1, sps, spr, spq):
        c = lax.axis_index("c")
        s = lax.axis_index("s")
        w = s * NC + c
        s_idx = (si0, si1)
        s_hs = (shs0, shs1)
        s_hr = (shr0, shr1)

        pltpu.sync_copy(wab_h, wabv)

        zero = jnp.zeros((L,), jnp.float32)

        def zrow(i, _):
            for k2 in range(D // L):
                hsv[0, i, pl.ds(k2 * L, L)] = zero
            return 0

        lax.fori_loop(0, CHUNK, zrow, 0)

        def zacc(i, _):
            pltpu.sync_copy(
                hsv.at[0], acc.at[pl.ds(s * ROWS_PER_TILE + i * CHUNK, CHUNK)])
            return 0

        lax.fori_loop(0, ROWS_PER_TILE // CHUNK, zacc, 0)
        plsc.subcore_barrier()

        cbase = w * NCHUNK

        def issue_idx(ci, b):
            pltpu.async_copy(idx_h.at[cbase + ci], idxv.at[b], s_idx[b])

        def wait_idx(b):
            pltpu.make_async_copy(idx_h.at[cbase], idxv.at[b], s_idx[b]).wait()

        def issue_small(b):
            pltpu.async_copy(ps_h.at[idxv.at[b, 0]], psv, sps)
            pltpu.async_copy(pr_h.at[idxv.at[b, 1]], prv, spr)
            pltpu.async_copy(pq_h.at[idxv.at[b, 2]], pqv, spq)

        def wait_small(b):
            pltpu.make_async_copy(ps_h.at[idxv.at[b, 0]], psv, sps).wait()
            pltpu.make_async_copy(pr_h.at[idxv.at[b, 1]], prv, spr).wait()
            pltpu.make_async_copy(pq_h.at[idxv.at[b, 2]], pqv, spq).wait()

        def issue_big(b):
            pltpu.async_copy(hid_h.at[idxv.at[b, 0]], hsv.at[b], s_hs[b])
            pltpu.async_copy(tr_h.at[idxv.at[b, 1]], hrv.at[b], s_hr[b])

        def wait_big(b):
            pltpu.make_async_copy(hid_h.at[idxv.at[b, 0]], hsv.at[b],
                                  s_hs[b]).wait()
            pltpu.make_async_copy(tr_h.at[idxv.at[b, 1]], hrv.at[b],
                                  s_hr[b]).wait()

        iota = lax.iota(jnp.int32, L)
        ba_vec = plsc.load_gather(wabv, [jnp.full((L,), A, dtype=jnp.int32)])

        issue_idx(0, 0)
        wait_idx(0)
        issue_small(0)
        issue_big(0)
        issue_idx(1, 1)

        def half(ci, b):
            wait_small(b)

            def a_body(a, accs):
                col = jnp.full((L,), a, dtype=jnp.int32)
                waa = plsc.load_gather(wabv, [col])
                out = []
                for g in range(GROUPS):
                    lanes = iota + g * L
                    vs = plsc.load_gather(psv, [lanes, col])
                    vr = plsc.load_gather(prv, [lanes, col])
                    vq = plsc.load_gather(pqv, [lanes, col])
                    out.append(accs[g] + jnp.maximum(vs + vr + vq, 0.0) * waa)
                return tuple(out)

            accs = lax.fori_loop(0, A, a_body,
                                 tuple(ba_vec for _ in range(GROUPS)))
            for g in range(GROUPS):
                al = 1.0 / (1.0 + jnp.exp(-accs[g]))
                alphav[pl.ds(g * L, L)] = al

            @pl.when(ci < NCHUNK - 1)
            def _():
                wait_idx(1 - b)
                issue_small(1 - b)

            wait_big(b)

            def m_body(e, _):
                ae = plsc.load_gather(alphav,
                                      [jnp.full((L,), e, dtype=jnp.int32)])
                for k2 in range(D // L):
                    sl = pl.ds(k2 * L, L)
                    hsv[b, e, sl] = hsv[b, e, sl] * hrv[b, e, sl] * ae
                return 0

            lax.fori_loop(0, CHUNK, m_body, 0)
            pltpu.sync_copy(hsv.at[b], acc.at[pl.ds(s * ROWS_PER_TILE, CHUNK)])

            @pl.when(ci < NCHUNK - 1)
            def _():
                issue_big(1 - b)

            @pl.when(ci < NCHUNK - 2)
            def _():
                issue_idx(ci + 2, b)

        def pair(p, _):
            half(2 * p, 0)
            half(2 * p + 1, 1)
            return 0

        lax.fori_loop(0, NCHUNK // 2, pair, 0)
        plsc.subcore_barrier()

        def cp(i, _):
            r = s * ROWS_PER_TILE + i * CHUNK
            pltpu.sync_copy(acc.at[pl.ds(r, CHUNK)], out_h.at[c, pl.ds(r, CHUNK)])
            return 0

        lax.fori_loop(0, ROWS_PER_TILE // CHUNK, cp, 0)

    return k(hid, ps, tr_tab, pr_tab, pq_tab, idx_all, wab)


def kernel(q_sub, q_rel, r_idx, hidden, edges, n_node, gnn_emb_rel, mapping,
           Ws, Wr, Wqr, bqr, Wa, ba, Wh):
    f32, i32 = jnp.float32, jnp.int32
    hidden = hidden.astype(f32)
    sub = edges[:, 0].astype(i32)
    rel = edges[:, 1].astype(i32)
    obj = edges[:, 2].astype(i32)
    r_idx = r_idx.astype(i32)

    pad = E_PAD - E
    sub_p = jnp.concatenate([sub, jnp.zeros((pad,), i32)])
    rel_p = jnp.concatenate([rel, jnp.zeros((pad,), i32)])
    ridx_p = jnp.concatenate([r_idx, jnp.zeros((pad,), i32)])
    obj_p = jnp.concatenate([obj, jnp.full((pad,), N_NODE, i32)])
    idx_all = jnp.stack([a.reshape(NW * NCHUNK, CHUNK)
                         for a in (sub_p, rel_p, ridx_p, obj_p)], axis=1)

    bqr2 = bqr.reshape(1, A).astype(f32)
    ps, prw, prq = _precompute_tc(hidden, gnn_emb_rel.astype(f32),
                                  Ws.astype(f32), Wr.astype(f32),
                                  Wqr.astype(f32), bqr2)
    mapping = mapping.astype(i32)
    tr_tab = jnp.take(gnn_emb_rel.astype(f32), mapping, axis=0)
    pr_tab = jnp.take(prw, mapping, axis=0)
    pq_tab = jnp.take(prq, jnp.take(mapping, q_rel.astype(i32)), axis=0)

    wab = jnp.concatenate([Wa.reshape(-1).astype(f32), ba.reshape(-1).astype(f32),
                           jnp.zeros((80 - A - 1,), f32)])

    partials = _sc_edges(hidden, ps, tr_tab, pr_tab, pq_tab, idx_all, wab)
    return _finish_tc(partials[0, :N_NODE], partials[1, :N_NODE], Wh)

# --- scband reference (transcript-rebuilt; emitter-appended) ---
"""Pipeline reference for scband-gnn-auto-19774029430901 (READ-ONLY COPY).

The authoritative reference and input builder live on the scoring server;
editing this copy changes nothing except your own understanding.
"""

import jax, jax.numpy as jnp
import numpy as np

N_NODE = 10000
E = 320000
B = 1024
D = 128
A = 64
N_REL = 475
N_UNIQ = 200


def setup_inputs(seed: int = 0) -> dict:
    key = jax.random.key(seed)
    ks = jax.random.split(key, 20)
    sub = jax.random.randint(ks[0], (E,), 0, N_NODE)
    rel = jax.random.randint(ks[1], (E,), 0, N_REL)
    obj = jax.random.randint(ks[2], (E,), 0, N_NODE)
    edges = jnp.stack([sub, rel, obj], axis=1)
    q_sub = jax.random.randint(ks[3], (B,), 0, N_NODE)
    q_rel = jax.random.randint(ks[4], (B,), 0, N_REL)
    r_idx = jax.random.randint(ks[5], (E,), 0, B)
    mapping = jax.random.randint(ks[6], (N_REL,), 0, N_UNIQ)
    hidden = jax.random.normal(ks[7], (N_NODE, D), dtype=jnp.float32)
    gnn_emb_rel = jax.random.normal(ks[8], (N_UNIQ, D), dtype=jnp.float32)
    s = 0.02
    Ws = jax.random.normal(ks[9], (A, D), dtype=jnp.float32) * s
    Wr = jax.random.normal(ks[10], (A, D), dtype=jnp.float32) * s
    Wqr = jax.random.normal(ks[11], (A, D), dtype=jnp.float32) * s
    bqr = jnp.zeros((A,), dtype=jnp.float32)
    Wa = jax.random.normal(ks[12], (1, A), dtype=jnp.float32) * s
    ba = jnp.zeros((1,), dtype=jnp.float32)
    Wh = jax.random.normal(ks[13], (D, D), dtype=jnp.float32) * s
    return {
        'q_sub': q_sub, 'q_rel': q_rel, 'r_idx': r_idx, 'hidden': hidden,
        'edges': edges, 'n_node': N_NODE, 'gnn_emb_rel': gnn_emb_rel,
        'mapping': mapping, 'Ws': Ws, 'Wr': Wr, 'Wqr': Wqr, 'bqr': bqr,
        'Wa': Wa, 'ba': ba, 'Wh': Wh,
    }


def reference(q_sub, q_rel, r_idx, hidden, edges, n_node, gnn_emb_rel, mapping,
              Ws, Wr, Wqr, bqr, Wa, ba, Wh):
    sub = edges[:, 0]
    rel = edges[:, 1]
    obj = edges[:, 2]
    hs = hidden[sub]
    hr = gnn_emb_rel[mapping[rel]]
    h_qr = gnn_emb_rel[mapping[q_rel]][r_idx]
    message = hs * hr
    pre = jax.nn.relu(hs @ Ws.T + hr @ Wr.T + (h_qr @ Wqr.T + bqr))
    alpha = jax.nn.sigmoid(pre @ Wa.T + ba)
    message = alpha * message
    num_segments = hidden.shape[0]
    message_agg = jax.ops.segment_sum(message, obj, num_segments=num_segments)
    hidden_new = message_agg @ Wh.T
    one = (jnp.asarray(n_node) * 0 + 1).astype(hidden_new.dtype)
    hidden_new = hidden_new * one
    return hidden_new

if __name__ == "__main__":
    import jax
    _d = setup_inputs()
    print(jax.jit(kernel)(*tuple(_d.values())))

</pallas_src>

<mosaic_0001>
#map = affine_map<(d0, d1) -> (0, 0)>
#map1 = affine_map<(d0, d1) -> (0, 0, 0)>
#map2 = affine_map<(d0, d1) -> (0)>
module attributes {stable_mosaic.version = 14 : i64} {
  func.func @k(%arg0: i32, %arg1: i32, %arg2: memref<10000x128xf32, #tpu.memory_space<hbm>>, %arg3: memref<10000x64xf32, #tpu.memory_space<hbm>>, %arg4: memref<475x128xf32, #tpu.memory_space<hbm>>, %arg5: memref<475x64xf32, #tpu.memory_space<hbm>>, %arg6: memref<1024x64xf32, #tpu.memory_space<hbm>>, %arg7: memref<5120x4x64xi32, #tpu.memory_space<hbm>>, %arg8: memref<80xf32, #tpu.memory_space<hbm>>, %arg9: memref<2x10240x128xf32, #tpu.memory_space<hbm>>, %arg10: memref<10240x128xf32, #tpu.memory_space<vmem_shared>>, %arg11: memref<2x4x64xi32, #tpu.memory_space<vmem>>, %arg12: memref<2x64x128xf32, #tpu.memory_space<vmem>>, %arg13: memref<2x64x128xf32, #tpu.memory_space<vmem>>, %arg14: memref<64x64xf32, #tpu.memory_space<vmem>>, %arg15: memref<64x64xf32, #tpu.memory_space<vmem>>, %arg16: memref<64x64xf32, #tpu.memory_space<vmem>>, %arg17: memref<64xf32, #tpu.memory_space<vmem>>, %arg18: memref<80xf32, #tpu.memory_space<vmem>>, %arg19: memref<!tpu.dma_semaphore, #tpu.memory_space<semaphore_mem>>, %arg20: memref<!tpu.dma_semaphore, #tpu.memory_space<semaphore_mem>>, %arg21: memref<!tpu.dma_semaphore, #tpu.memory_space<semaphore_mem>>, %arg22: memref<!tpu.dma_semaphore, #tpu.memory_space<semaphore_mem>>, %arg23: memref<!tpu.dma_semaphore, #tpu.memory_space<semaphore_mem>>, %arg24: memref<!tpu.dma_semaphore, #tpu.memory_space<semaphore_mem>>, %arg25: memref<!tpu.dma_semaphore, #tpu.memory_space<semaphore_mem>>, %arg26: memref<!tpu.dma_semaphore, #tpu.memory_space<semaphore_mem>>, %arg27: memref<!tpu.dma_semaphore, #tpu.memory_space<semaphore_mem>>) attributes {dimension_semantics = [#tpu.dimension_semantics<core_parallel>, #tpu.dimension_semantics<subcore_parallel>], iteration_bounds = array<i64: 2, 16>, scalar_prefetch = 0 : i64, scratch_operands = 18 : i64, tpu.core_type = #tpu.core_type<sc_vector_subcore>, window_params = [{transform_indices = #map}, {transform_indices = #map}, {transform_indices = #map}, {transform_indices = #map}, {transform_indices = #map}, {transform_indices = #map1}, {transform_indices = #map2}, {transform_indices = #map1}]} {
    %mul3A = arith.constant 2 : i32
    %mul3A_0 = arith.muli %arg1, %mul3A : i32
    %add3A = arith.addi %mul3A_0, %arg0 : i32
    "tpu.region"() ({
      %run_scoped3A = tpu.sem_alloc : memref<!tpu.dma_semaphore, #tpu.memory_space<semaphore_mem>>
      tpu.enqueue_dma source(%arg8 : memref<80xf32, #tpu.memory_space<hbm>>) target(%arg18 : memref<80xf32, #tpu.memory_space<vmem>>) target_semaphore(%run_scoped3A : memref<!tpu.dma_semaphore, #tpu.memory_space<semaphore_mem>>)
      tpu.wait_dma2 semaphore(%run_scoped3A : memref<!tpu.dma_semaphore, #tpu.memory_space<semaphore_mem>>) src(%arg8 : memref<80xf32, #tpu.memory_space<hbm>>) dst(%arg18 : memref<80xf32, #tpu.memory_space<vmem>>)
      tpu.yield
    }) : () -> ()
    %broadcast_in_dim3A = arith.constant 0.000000e+00 : f32
    %broadcast_in_dim3A_1 = vector.broadcast %broadcast_in_dim3A : f32 to vector<16xf32>
    %scan3A = arith.constant 0 : i32
    %scan3A_2 = arith.constant 0 : i32
    %scan3A_3 = arith.constant 64 : i32
    %scan3A_4 = arith.addi %scan3A_2, %scan3A_3 : i32
    %scan3A_5 = arith.constant 1 : i32
    %scan3A_6 = scf.for %scan3A_137 = %scan3A_2 to %scan3A_4 step %scan3A_5 iter_args(%scan3A_138 = %scan3A) -> (i32)  : i32 {
      %swap3A = arith.constant 0 : i32
      %swap3A_139 = arith.index_cast %swap3A : i32 to index
      %swap3A_140 = arith.index_cast %scan3A_137 : i32 to index
      %swap3A_141 = arith.constant 0 : index
      %swap3A_142 = tpu.vector_load %arg12[%swap3A_139, %swap3A_140, %swap3A_141] {strides = array<i32>} : memref<2x64x128xf32, #tpu.memory_space<vmem>>, vector<16xf32>,
      tpu.vector_store %arg12[%swap3A_139, %swap3A_140, %swap3A_141], %broadcast_in_dim3A_1 {strides = array<i32>} : memref<2x64x128xf32, #tpu.memory_space<vmem>>, vector<16xf32>,
      %swap3A_143 = arith.constant 0 : i32
      %swap3A_144 = arith.index_cast %swap3A_143 : i32 to index
      %swap3A_145 = arith.index_cast %scan3A_137 : i32 to index
      %swap3A_146 = arith.constant 16 : index
      %swap3A_147 = tpu.vector_load %arg12[%swap3A_144, %swap3A_145, %swap3A_146] {strides = array<i32>} : memref<2x64x128xf32, #tpu.memory_space<vmem>>, vector<16xf32>,
      tpu.vector_store %arg12[%swap3A_144, %swap3A_145, %swap3A_146], %broadcast_in_dim3A_1 {strides = array<i32>} : memref<2x64x128xf32, #tpu.memory_space<vmem>>, vector<16xf32>,
      %swap3A_148 = arith.constant 0 : i32
      %swap3A_149 = arith.index_cast %swap3A_148 : i32 to index
      %swap3A_150 = arith.index_cast %scan3A_137 : i32 to index
      %swap3A_151 = arith.constant 32 : index
      %swap3A_152 = tpu.vector_load %arg12[%swap3A_149, %swap3A_150, %swap3A_151] {strides = array<i32>} : memref<2x64x128xf32, #tpu.memory_space<vmem>>, vector<16xf32>,
      tpu.vector_store %arg12[%swap3A_149, %swap3A_150, %swap3A_151], %broadcast_in_dim3A_1 {strides = array<i32>} : memref<2x64x128xf32, #tpu.memory_space<vmem>>, vector<16xf32>,
      %swap3A_153 = arith.constant 0 : i32
      %swap3A_154 = arith.index_cast %swap3A_153 : i32 to index
      %swap3A_155 = arith.index_cast %scan3A_137 : i32 to index
      %swap3A_156 = arith.constant 48 : index
      %swap3A_157 = tpu.vector_load %arg12[%swap3A_154, %swap3A_155, %swap3A_156] {strides = array<i32>} : memref<2x64x128xf32, #tpu.memory_space<vmem>>, vector<16xf32>,
      tpu.vector_store %arg12[%swap3A_154, %swap3A_155, %swap3A_156], %broadcast_in_dim3A_1 {strides = array<i32>} : memref<2x64x128xf32, #tpu.memory_space<vmem>>, vector<16xf32>,
      %swap3A_158 = arith.constant 0 : i32
      %swap3A_159 = arith.index_cast %swap3A_158 : i32 to index
      %swap3A_160 = arith.index_cast %scan3A_137 : i32 to index
      %swap3A_161 = arith.constant 64 : index
      %swap3A_162 = tpu.vector_load %arg12[%swap3A_159, %swap3A_160, %swap3A_161] {strides = array<i32>} : memref<2x64x128xf32, #tpu.memory_space<vmem>>, vector<16xf32>,
      tpu.vector_store %arg12[%swap3A_159, %swap3A_160, %swap3A_161], %broadcast_in_dim3A_1 {strides = array<i32>} : memref<2x64x128xf32, #tpu.memory_space<vmem>>, vector<16xf32>,
      %swap3A_163 = arith.constant 0 : i32
      %swap3A_164 = arith.index_cast %swap3A_163 : i32 to index
      %swap3A_165 = arith.index_cast %scan3A_137 : i32 to index
      %swap3A_166 = arith.constant 80 : index
      %swap3A_167 = tpu.vector_load %arg12[%swap3A_164, %swap3A_165, %swap3A_166] {strides = array<i32>} : memref<2x64x128xf32, #tpu.memory_space<vmem>>, vector<16xf32>,
      tpu.vector_store %arg12[%swap3A_164, %swap3A_165, %swap3A_166], %broadcast_in_dim3A_1 {strides = array<i32>} : memref<2x64x128xf32, #tpu.memory_space<vmem>>, vector<16xf32>,
      %swap3A_168 = arith.constant 0 : i32
      %swap3A_169 = arith.index_cast %swap3A_168 : i32 to index
      %swap3A_170 = arith.index_cast %scan3A_137 : i32 to index
      %swap3A_171 = arith.constant 96 : index
      %swap3A_172 = tpu.vector_load %arg12[%swap3A_169, %swap3A_170, %swap3A_171] {strides = array<i32>} : memref<2x64x128xf32, #tpu.memory_space<vmem>>, vector<16xf32>,
      tpu.vector_store %arg12[%swap3A_169, %swap3A_170, %swap3A_171], %broadcast_in_dim3A_1 {strides = array<i32>} : memref<2x64x128xf32, #tpu.memory_space<vmem>>, vector<16xf32>,
      %swap3A_173 = arith.constant 0 : i32
      %swap3A_174 = arith.index_cast %swap3A_173 : i32 to index
      %swap3A_175 = arith.index_cast %scan3A_137 : i32 to index
      %swap3A_176 = arith.constant 112 : index
      %swap3A_177 = tpu.vector_load %arg12[%swap3A_174, %swap3A_175, %swap3A_176] {strides = array<i32>} : memref<2x64x128xf32, #tpu.memory_space<vmem>>, vector<16xf32>,
      tpu.vector_store %arg12[%swap3A_174, %swap3A_175, %swap3A_176], %broadcast_in_dim3A_1 {strides = array<i32>} : memref<2x64x128xf32, #tpu.memory_space<vmem>>, vector<16xf32>,
      %scan3A_178 = arith.constant 0 : i32
      scf.yield %scan3A_178 : i32
    }
    %scan3A_7 = arith.constant 64 : i32
    %scan3A_8 = arith.constant 0 : i32
    %scan3A_9 = arith.constant 0 : i32
    %scan3A_10 = arith.constant 10 : i32
    %scan3A_11 = arith.addi %scan3A_9, %scan3A_10 : i32
    %scan3A_12 = arith.constant 1 : i32
    %scan3A_13 = scf.for %scan3A_137 = %scan3A_9 to %scan3A_11 step %scan3A_12 iter_args(%scan3A_138 = %scan3A_8) -> (i32)  : i32 {
      %mul3A_139 = arith.constant 640 : i32
      %mul3A_140 = arith.muli %arg1, %mul3A_139 : i32
      %mul3A_141 = arith.constant 64 : i32
      %mul3A_142 = arith.muli %scan3A_137, %mul3A_141 : i32
      %add3A_143 = arith.addi %mul3A_140, %mul3A_142 : i32
      %run_scoped3A = arith.constant 0 : i32
      "tpu.region"() ({
        %run_scoped3A_145 = tpu.sem_alloc : memref<!tpu.dma_semaphore, #tpu.memory_space<semaphore_mem>>
        %dma_start3A_146 = arith.constant 0 : i32
        %dma_start3A_147 = arith.constant 0 : i32
        %dma_start3A_148 = tpu.memref_slice %arg12[%run_scoped3A, %dma_start3A_146, %dma_start3A_147] : memref<2x64x128xf32, #tpu.memory_space<vmem>> -> memref<1x64x128xf32, #tpu.memory_space<vmem>>
        %dma_start3A_149 = tpu.memref_squeeze %dma_start3A_148 : memref<1x64x128xf32, #tpu.memory_space<vmem>> -> memref<64x128xf32, #tpu.memory_space<vmem>>
        %dma_start3A_150 = arith.constant 0 : i32
        %dma_start3A_151 = tpu.memref_slice %arg10[%add3A_143, %dma_start3A_150] : memref<10240x128xf32, #tpu.memory_space<vmem_shared>> -> memref<64x128xf32, #tpu.memory_space<vmem_shared>>
        %dma_start3A_152 = arith.constant 0 : i32
        %dma_start3A_153 = tpu.memref_slice %arg10[%add3A_143, %dma_start3A_152] : memref<10240x128xf32, #tpu.memory_space<vmem_shared>> -> memref<64x128xf32, #tpu.memory_space<vmem_shared>>
        %dma_start3A_154 = arith.constant 0 : i32
        %dma_start3A_155 = arith.constant 0 : i32
        %dma_start3A_156 = tpu.memref_slice %arg12[%run_scoped3A, %dma_start3A_154, %dma_start3A_155] : memref<2x64x128xf32, #tpu.memory_space<vmem>> -> memref<1x64x128xf32, #tpu.memory_space<vmem>>
        %dma_start3A_157 = tpu.memref_squeeze %dma_start3A_156 : memref<1x64x128xf32, #tpu.memory_space<vmem>> -> memref<64x128xf32, #tpu.memory_space<vmem>>
        tpu.enqueue_dma source(%dma_start3A_157 : memref<64x128xf32, #tpu.memory_space<vmem>>) target(%dma_start3A_153 : memref<64x128xf32, #tpu.memory_space<vmem_shared>>) target_semaphore(%run_scoped3A_145 : memref<!tpu.dma_semaphore, #tpu.memory_space<semaphore_mem>>)
        %dma_wait3A_158 = arith.constant 0 : i32
        %dma_wait3A_159 = arith.constant 0 : i32
        %dma_wait3A_160 = tpu.memref_slice %arg12[%run_scoped3A, %dma_wait3A_158, %dma_wait3A_159] : memref<2x64x128xf32, #tpu.memory_space<vmem>> -> memref<1x64x128xf32, #tpu.memory_space<vmem>>
        %dma_wait3A_161 = tpu.memref_squeeze %dma_wait3A_160 : memref<1x64x128xf32, #tpu.memory_space<vmem>> -> memref<64x128xf32, #tpu.memory_space<vmem>>
        %dma_wait3A_162 = arith.constant 0 : i32
        %dma_wait3A_163 = tpu.memref_slice %arg10[%add3A_143, %dma_wait3A_162] : memref<10240x128xf32, #tpu.memory_space<vmem_shared>> -> memref<64x128xf32, #tpu.memory_space<vmem_shared>>
        %dma_wait3A_164 = arith.constant 0 : i32
        %dma_wait3A_165 = tpu.memref_slice %arg10[%add3A_143, %dma_wait3A_164] : memref<10240x128xf32, #tpu.memory_space<vmem_shared>> -> memref<64x128xf32, #tpu.memory_space<vmem_shared>>
        %dma_wait3A_166 = arith.constant 0 : i32
        %dma_wait3A_167 = arith.constant 0 : i32
        %dma_wait3A_168 = tpu.memref_slice %arg12[%run_scoped3A, %dma_wait3A_166, %dma_wait3A_167] : memref<2x64x128xf32, #tpu.memory_space<vmem>> -> memref<1x64x128xf32, #tpu.memory_space<vmem>>
        %dma_wait3A_169 = tpu.memref_squeeze %dma_wait3A_168 : memref<1x64x128xf32, #tpu.memory_space<vmem>> -> memref<64x128xf32, #tpu.memory_space<vmem>>
        tpu.wait_dma2 semaphore(%run_scoped3A_145 : memref<!tpu.dma_semaphore, #tpu.memory_space<semaphore_mem>>) src(%dma_wait3A_169 : memref<64x128xf32, #tpu.memory_space<vmem>>) dst(%dma_wait3A_165 : memref<64x128xf32, #tpu.memory_space<vmem_shared>>)
        tpu.yield
      }) : () -> ()
      %scan3A_144 = arith.constant 0 : i32
      scf.yield %scan3A_144 : i32
    }
    %scan3A_14 = arith.constant 10 : i32
    %barrier3A = arith.constant 0 : index
    tpu.barrier barrier_id(%barrier3A)
    %mul3A_15 = arith.constant 160 : i32
    %mul3A_16 = arith.muli %add3A, %mul3A_15 : i32
    %iota3A = tpu.iota {dimensions = array<i32: 0>} : vector<16xi32>
    %broadcast_in_dim3A_17 = arith.constant 64 : i32
    %broadcast_in_dim3A_18 = vector.broadcast %broadcast_in_dim3A_17 : i32 to vector<16xi32>
    %gather3A = tpu.vector_load_idx %arg18[%broadcast_in_dim3A_18] : memref<80xf32, #tpu.memory_space<vmem>>[vector<16xi32>], vector<16xf32>,
    %add3A_19 = arith.constant 0 : i32
    %add3A_20 = arith.addi %mul3A_16, %add3A_19 : i32
    %dma_start3A = arith.constant 0 : i32
    %dma_start3A_21 = arith.constant 0 : i32
    %dma_start3A_22 = arith.constant 0 : i32
    %dma_start3A_23 = tpu.memref_slice %arg11[%dma_start3A, %dma_start3A_21, %dma_start3A_22] : memref<2x4x64xi32, #tpu.memory_space<vmem>> -> memref<1x4x64xi32, #tpu.memory_space<vmem>>
    %dma_start3A_24 = tpu.memref_squeeze %dma_start3A_23 : memref<1x4x64xi32, #tpu.memory_space<vmem>> -> memref<4x64xi32, #tpu.memory_space<vmem>>
    %dma_start3A_25 = arith.constant 0 : i32
    %dma_start3A_26 = arith.constant 0 : i32
    %dma_start3A_27 = tpu.memref_slice %arg7[%add3A_20, %dma_start3A_25, %dma_start3A_26] : memref<5120x4x64xi32, #tpu.memory_space<hbm>> -> memref<1x4x64xi32, #tpu.memory_space<hbm>>
    %dma_start3A_28 = tpu.memref_squeeze %dma_start3A_27 : memref<1x4x64xi32, #tpu.memory_space<hbm>> -> memref<4x64xi32, #tpu.memory_space<hbm>>
    %dma_start3A_29 = arith.constant 0 : i32
    %dma_start3A_30 = arith.constant 0 : i32
    %dma_start3A_31 = tpu.memref_slice %arg11[%dma_start3A, %dma_start3A_29, %dma_start3A_30] : memref<2x4x64xi32, #tpu.memory_space<vmem>> -> memref<1x4x64xi32, #tpu.memory_space<vmem>>
    %dma_start3A_32 = tpu.memref_squeeze %dma_start3A_31 : memref<1x4x64xi32, #tpu.memory_space<vmem>> -> memref<4x64xi32, #tpu.memory_space<vmem>>
    %dma_start3A_33 = arith.constant 0 : i32
    %dma_start3A_34 = arith.constant 0 : i32
    %dma_start3A_35 = tpu.memref_slice %arg7[%add3A_20, %dma_start3A_33, %dma_start3A_34] : memref<5120x4x64xi32, #tpu.memory_space<hbm>> -> memref<1x4x64xi32, #tpu.memory_space<hbm>>
    %dma_start3A_36 = tpu.memref_squeeze %dma_start3A_35 : memref<1x4x64xi32, #tpu.memory_space<hbm>> -> memref<4x64xi32, #tpu.memory_space<hbm>>
    tpu.enqueue_dma source(%dma_start3A_36 : memref<4x64xi32, #tpu.memory_space<hbm>>) target(%dma_start3A_32 : memref<4x64xi32, #tpu.memory_space<vmem>>) target_semaphore(%arg19 : memref<!tpu.dma_semaphore, #tpu.memory_space<semaphore_mem>>)
    %dma_wait3A = arith.constant 0 : i32
    %dma_wait3A_37 = arith.constant 0 : i32
    %dma_wait3A_38 = arith.constant 0 : i32
    %dma_wait3A_39 = tpu.memref_slice %arg11[%dma_wait3A, %dma_wait3A_37, %dma_wait3A_38] : memref<2x4x64xi32, #tpu.memory_space<vmem>> -> memref<1x4x64xi32, #tpu.memory_space<vmem>>
    %dma_wait3A_40 = tpu.memref_squeeze %dma_wait3A_39 : memref<1x4x64xi32, #tpu.memory_space<vmem>> -> memref<4x64xi32, #tpu.memory_space<vmem>>
    %dma_wait3A_41 = arith.constant 0 : i32
    %dma_wait3A_42 = arith.constant 0 : i32
    %dma_wait3A_43 = tpu.memref_slice %arg7[%mul3A_16, %dma_wait3A_41, %dma_wait3A_42] : memref<5120x4x64xi32, #tpu.memory_space<hbm>> -> memref<1x4x64xi32, #tpu.memory_space<hbm>>
    %dma_wait3A_44 = tpu.memref_squeeze %dma_wait3A_43 : memref<1x4x64xi32, #tpu.memory_space<hbm>> -> memref<4x64xi32, #tpu.memory_space<hbm>>
    %dma_wait3A_45 = arith.constant 0 : i32
    %dma_wait3A_46 = arith.constant 0 : i32
    %dma_wait3A_47 = tpu.memref_slice %arg11[%dma_wait3A, %dma_wait3A_45, %dma_wait3A_46] : memref<2x4x64xi32, #tpu.memory_space<vmem>> -> memref<1x4x64xi32, #tpu.memory_space<vmem>>
    %dma_wait3A_48 = tpu.memref_squeeze %dma_wait3A_47 : memref<1x4x64xi32, #tpu.memory_space<vmem>> -> memref<4x64xi32, #tpu.memory_space<vmem>>
    %dma_wait3A_49 = arith.constant 0 : i32
    %dma_wait3A_50 = arith.constant 0 : i32
    %dma_wait3A_51 = tpu.memref_slice %arg7[%mul3A_16, %dma_wait3A_49, %dma_wait3A_50] : memref<5120x4x64xi32, #tpu.memory_space<hbm>> -> memref<1x4x64xi32, #tpu.memory_space<hbm>>
    %dma_wait3A_52 = tpu.memref_squeeze %dma_wait3A_51 : memref<1x4x64xi32, #tpu.memory_space<hbm>> -> memref<4x64xi32, #tpu.memory_space<hbm>>
    tpu.wait_dma2 semaphore(%arg19 : memref<!tpu.dma_semaphore, #tpu.memory_space<semaphore_mem>>) src(%dma_wait3A_52 : memref<4x64xi32, #tpu.memory_space<hbm>>) dst(%dma_wait3A_48 : memref<4x64xi32, #tpu.memory_space<vmem>>)
    %dma_start3A_53 = arith.constant 0 : i32
    %dma_start3A_54 = arith.constant 0 : i32
    %dma_start3A_55 = arith.constant 0 : i32
    %dma_start3A_56 = tpu.memref_slice %arg11[%dma_start3A_53, %dma_start3A_54, %dma_start3A_55] : memref<2x4x64xi32, #tpu.memory_space<vmem>> -> memref<1x1x64xi32, #tpu.memory_space<vmem>>
    %dma_start3A_57 = tpu.memref_squeeze %dma_start3A_56 : memref<1x1x64xi32, #tpu.memory_space<vmem>> -> memref<64xi32, #tpu.memory_space<vmem>>
    %dma_start3A_58 = arith.constant 0 : i32
    %dma_start3A_59 = arith.constant 0 : i32
    %dma_start3A_60 = tpu.memref_slice %arg3[%dma_start3A_58, %dma_start3A_59] : memref<10000x64xf32, #tpu.memory_space<hbm>> -> memref<10000x64xf32, #tpu.memory_space<hbm>>
    tpu.enqueue_indirect_dma source(%dma_start3A_60 : memref<10000x64xf32, #tpu.memory_space<hbm>>) target(%arg14 : memref<64x64xf32, #tpu.memory_space<vmem>>) offsets(%dma_start3A_57 : memref<64xi32, #tpu.memory_space<vmem>>) semaphore(%arg25 : memref<!tpu.dma_semaphore, #tpu.memory_space<semaphore_mem>>)
    %dma_start3A_61 = arith.constant 0 : i32
    %dma_start3A_62 = arith.constant 1 : i32
    %dma_start3A_63 = arith.constant 0 : i32
    %dma_start3A_64 = tpu.memref_slice %arg11[%dma_start3A_61, %dma_start3A_62, %dma_start3A_63] : memref<2x4x64xi32, #tpu.memory_space<vmem>> -> memref<1x1x64xi32, #tpu.memory_space<vmem>>
    %dma_start3A_65 = tpu.memref_squeeze %dma_start3A_64 : memref<1x1x64xi32, #tpu.memory_space<vmem>> -> memref<64xi32, #tpu.memory_space<vmem>>
    %dma_start3A_66 = arith.constant 0 : i32
    %dma_start3A_67 = arith.constant 0 : i32
    %dma_start3A_68 = tpu.memref_slice %arg5[%dma_start3A_66, %dma_start3A_67] : memref<475x64xf32, #tpu.memory_space<hbm>> -> memref<475x64xf32, #tpu.memory_space<hbm>>
    tpu.enqueue_indirect_dma source(%dma_start3A_68 : memref<475x64xf32, #tpu.memory_space<hbm>>) target(%arg15 : memref<64x64xf32, #tpu.memory_space<vmem>>) offsets(%dma_start3A_65 : memref<64xi32, #tpu.memory_space<vmem>>) semaphore(%arg26 : memref<!tpu.dma_semaphore, #tpu.memory_space<semaphore_mem>>)
    %dma_start3A_69 = arith.constant 0 : i32
    %dma_start3A_70 = arith.constant 2 : i32
    %dma_start3A_71 = arith.constant 0 : i32
    %dma_start3A_72 = tpu.memref_slice %arg11[%dma_start3A_69, %dma_start3A_70, %dma_start3A_71] : memref<2x4x64xi32, #tpu.memory_space<vmem>> -> memref<1x1x64xi32, #tpu.memory_space<vmem>>
    %dma_start3A_73 = tpu.memref_squeeze %dma_start3A_72 : memref<1x1x64xi32, #tpu.memory_space<vmem>> -> memref<64xi32, #tpu.memory_space<vmem>>
    %dma_start3A_74 = arith.constant 0 : i32
    %dma_start3A_75 = arith.constant 0 : i32
    %dma_start3A_76 = tpu.memref_slice %arg6[%dma_start3A_74, %dma_start3A_75] : memref<1024x64xf32, #tpu.memory_space<hbm>> -> memref<1024x64xf32, #tpu.memory_space<hbm>>
    tpu.enqueue_indirect_dma source(%dma_start3A_76 : memref<1024x64xf32, #tpu.memory_space<hbm>>) target(%arg16 : memref<64x64xf32, #tpu.memory_space<vmem>>) offsets(%dma_start3A_73 : memref<64xi32, #tpu.memory_space<vmem>>) semaphore(%arg27 : memref<!tpu.dma_semaphore, #tpu.memory_space<semaphore_mem>>)
    %dma_start3A_77 = arith.constant 0 : i32
    %dma_start3A_78 = arith.constant 0 : i32
    %dma_start3A_79 = arith.constant 0 : i32
    %dma_start3A_80 = arith.constant 0 : i32
    %dma_start3A_81 = arith.constant 0 : i32
    %dma_start3A_82 = tpu.memref_slice %arg12[%dma_start3A_79, %dma_start3A_80, %dma_start3A_81] : memref<2x64x128xf32, #tpu.memory_space<vmem>> -> memref<1x64x128xf32, #tpu.memory_space<vmem>>
    %dma_start3A_83 = tpu.memref_squeeze %dma_start3A_82 : memref<1x64x128xf32, #tpu.memory_space<vmem>> -> memref<64x128xf32, #tpu.memory_space<vmem>>
    %dma_start3A_84 = arith.constant 0 : i32
    %dma_start3A_85 = tpu.memref_slice %arg11[%dma_start3A_77, %dma_start3A_78, %dma_start3A_84] : memref<2x4x64xi32, #tpu.memory_space<vmem>> -> memref<1x1x64xi32, #tpu.memory_space<vmem>>
    %dma_start3A_86 = tpu.memref_squeeze %dma_start3A_85 : memref<1x1x64xi32, #tpu.memory_space<vmem>> -> memref<64xi32, #tpu.memory_space<vmem>>
    %dma_start3A_87 = arith.constant 0 : i32
    %dma_start3A_88 = arith.constant 0 : i32
    %dma_start3A_89 = tpu.memref_slice %arg2[%dma_start3A_87, %dma_start3A_88] : memref<10000x128xf32, #tpu.memory_space<hbm>> -> memref<10000x128xf32, #tpu.memory_space<hbm>>
    tpu.enqueue_indirect_dma source(%dma_start3A_89 : memref<10000x128xf32, #tpu.memory_space<hbm>>) target(%dma_start3A_83 : memref<64x128xf32, #tpu.memory_space<vmem>>) offsets(%dma_start3A_86 : memref<64xi32, #tpu.memory_space<vmem>>) semaphore(%arg21 : memref<!tpu.dma_semaphore, #tpu.memory_space<semaphore_mem>>)
    %dma_start3A_90 = arith.constant 0 : i32
    %dma_start3A_91 = arith.constant 1 : i32
    %dma_start3A_92 = arith.constant 0 : i32
    %dma_start3A_93 = arith.constant 0 : i32
    %dma_start3A_94 = arith.constant 0 : i32
    %dma_start3A_95 = tpu.memref_slice %arg13[%dma_start3A_92, %dma_start3A_93, %dma_start3A_94] : memref<2x64x128xf32, #tpu.memory_space<vmem>> -> memref<1x64x128xf32, #tpu.memory_space<vmem>>
    %dma_start3A_96 = tpu.memref_squeeze %dma_start3A_95 : memref<1x64x128xf32, #tpu.memory_space<vmem>> -> memref<64x128xf32, #tpu.memory_space<vmem>>
    %dma_start3A_97 = arith.constant 0 : i32
    %dma_start3A_98 = tpu.memref_slice %arg11[%dma_start3A_90, %dma_start3A_91, %dma_start3A_97] : memref<2x4x64xi32, #tpu.memory_space<vmem>> -> memref<1x1x64xi32, #tpu.memory_space<vmem>>
    %dma_start3A_99 = tpu.memref_squeeze %dma_start3A_98 : memref<1x1x64xi32, #tpu.memory_space<vmem>> -> memref<64xi32, #tpu.memory_space<vmem>>
    %dma_start3A_100 = arith.constant 0 : i32
    %dma_start3A_101 = arith.constant 0 : i32
    %dma_start3A_102 = tpu.memref_slice %arg4[%dma_start3A_100, %dma_start3A_101] : memref<475x128xf32, #tpu.memory_space<hbm>> -> memref<475x128xf32, #tpu.memory_space<hbm>>
    tpu.enqueue_indirect_dma source(%dma_start3A_102 : memref<475x128xf32, #tpu.memory_space<hbm>>) target(%dma_start3A_96 : memref<64x128xf32, #tpu.memory_space<vmem>>) offsets(%dma_start3A_99 : memref<64xi32, #tpu.memory_space<vmem>>) semaphore(%arg23 : memref<!tpu.dma_semaphore, #tpu.memory_space<semaphore_mem>>)
    %add3A_103 = arith.constant 1 : i32
    %add3A_104 = arith.addi %mul3A_16, %add3A_103 : i32
    %dma_start3A_105 = arith.constant 1 : i32
    %dma_start3A_106 = arith.constant 0 : i32
    %dma_start3A_107 = arith.constant 0 : i32
    %dma_start3A_108 = tpu.memref_slice %arg11[%dma_start3A_105, %dma_start3A_106, %dma_start3A_107] : memref<2x4x64xi32, #tpu.memory_space<vmem>> -> memref<1x4x64xi32, #tpu.memory_space<vmem>>
    %dma_start3A_109 = tpu.memref_squeeze %dma_start3A_108 : memref<1x4x64xi32, #tpu.memory_space<vmem>> -> memref<4x64xi32, #tpu.memory_space<vmem>>
    %dma_start3A_110 = arith.constant 0 : i32
    %dma_start3A_111 = arith.constant 0 : i32
    %dma_start3A_112 = tpu.memref_slice %arg7[%add3A_104, %dma_start3A_110, %dma_start3A_111] : memref<5120x4x64xi32, #tpu.memory_space<hbm>> -> memref<1x4x64xi32, #tpu.memory_space<hbm>>
    %dma_start3A_113 = tpu.memref_squeeze %dma_start3A_112 : memref<1x4x64xi32, #tpu.memory_space<hbm>> -> memref<4x64xi32, #tpu.memory_space<hbm>>
    %dma_start3A_114 = arith.constant 0 : i32
    %dma_start3A_115 = arith.constant 0 : i32
    %dma_start3A_116 = tpu.memref_slice %arg11[%dma_start3A_105, %dma_start3A_114, %dma_start3A_115] : memref<2x4x64xi32, #tpu.memory_space<vmem>> -> memref<1x4x64xi32, #tpu.memory_space<vmem>>
    %dma_start3A_117 = tpu.memref_squeeze %dma_start3A_116 : memref<1x4x64xi32, #tpu.memory_space<vmem>> -> memref<4x64xi32, #tpu.memory_space<vmem>>
    %dma_start3A_118 = arith.constant 0 : i32
    %dma_start3A_119 = arith.constant 0 : i32
    %dma_start3A_120 = tpu.memref_slice %arg7[%add3A_104, %dma_start3A_118, %dma_start3A_119] : memref<5120x4x64xi32, #tpu.memory_space<hbm>> -> memref<1x4x64xi32, #tpu.memory_space<hbm>>
    %dma_start3A_121 = tpu.memref_squeeze %dma_start3A_120 : memref<1x4x64xi32, #tpu.memory_space<hbm>> -> memref<4x64xi32, #tpu.memory_space<hbm>>
    tpu.enqueue_dma source(%dma_start3A_121 : memref<4x64xi32, #tpu.memory_space<hbm>>) target(%dma_start3A_117 : memref<4x64xi32, #tpu.memory_space<vmem>>) target_semaphore(%arg20 : memref<!tpu.dma_semaphore, #tpu.memory_space<semaphore_mem>>)
    %scan3A_122 = arith.constant 0 : i32
    %scan3A_123 = arith.constant 0 : i32
    %scan3A_124 = arith.constant 80 : i32
    %scan3A_125 = arith.addi %scan3A_123, %scan3A_124 : i32
    %scan3A_126 = arith.constant 1 : i32
    %scan3A_127 = scf.for %scan3A_137 = %scan3A_123 to %scan3A_125 step %scan3A_126 iter_args(%scan3A_138 = %scan3A_122) -> (i32)  : i32 {
      %mul3A_139 = arith.constant 2 : i32
      %mul3A_140 = arith.muli %mul3A_139, %scan3A_137 : i32
      %dma_wait3A_141 = arith.constant 0 : i32
      %dma_wait3A_142 = arith.constant 0 : i32
      %dma_wait3A_143 = arith.constant 0 : i32
      %dma_wait3A_144 = tpu.memref_slice %arg11[%dma_wait3A_141, %dma_wait3A_142, %dma_wait3A_143] : memref<2x4x64xi32, #tpu.memory_space<vmem>> -> memref<1x1x64xi32, #tpu.memory_space<vmem>>
      %dma_wait3A_145 = tpu.memref_squeeze %dma_wait3A_144 : memref<1x1x64xi32, #tpu.memory_space<vmem>> -> memref<64xi32, #tpu.memory_space<vmem>>
      %dma_wait3A_146 = arith.constant 0 : i32
      %dma_wait3A_147 = arith.constant 0 : i32
      %dma_wait3A_148 = tpu.memref_slice %arg3[%dma_wait3A_146, %dma_wait3A_147] : memref<10000x64xf32, #tpu.memory_space<hbm>> -> memref<10000x64xf32, #tpu.memory_space<hbm>>
      tpu.wait_indirect_dma semaphore(%arg25 : memref<!tpu.dma_semaphore, #tpu.memory_space<semaphore_mem>>) src(%dma_wait3A_148 : memref<10000x64xf32, #tpu.memory_space<hbm>>) dst(%arg14 : memref<64x64xf32, #tpu.memory_space<vmem>>)
      %dma_wait3A_149 = arith.constant 0 : i32
      %dma_wait3A_150 = arith.constant 1 : i32
      %dma_wait3A_151 = arith.constant 0 : i32
      %dma_wait3A_152 = tpu.memref_slice %arg11[%dma_wait3A_149, %dma_wait3A_150, %dma_wait3A_151] : memref<2x4x64xi32, #tpu.memory_space<vmem>> -> memref<1x1x64xi32, #tpu.memory_space<vmem>>
      %dma_wait3A_153 = tpu.memref_squeeze %dma_wait3A_152 : memref<1x1x64xi32, #tpu.memory_space<vmem>> -> memref<64xi32, #tpu.memory_space<vmem>>
      %dma_wait3A_154 = arith.constant 0 : i32
      %dma_wait3A_155 = arith.constant 0 : i32
      %dma_wait3A_156 = tpu.memref_slice %arg5[%dma_wait3A_154, %dma_wait3A_155] : memref<475x64xf32, #tpu.memory_space<hbm>> -> memref<475x64xf32, #tpu.memory_space<hbm>>
      tpu.wait_indirect_dma semaphore(%arg26 : memref<!tpu.dma_semaphore, #tpu.memory_space<semaphore_mem>>) src(%dma_wait3A_156 : memref<475x64xf32, #tpu.memory_space<hbm>>) dst(%arg15 : memref<64x64xf32, #tpu.memory_space<vmem>>)
      %dma_wait3A_157 = arith.constant 0 : i32
      %dma_wait3A_158 = arith.constant 2 : i32
      %dma_wait3A_159 = arith.constant 0 : i32
      %dma_wait3A_160 = tpu.memref_slice %arg11[%dma_wait3A_157, %dma_wait3A_158, %dma_wait3A_159] : memref<2x4x64xi32, #tpu.memory_space<vmem>> -> memref<1x1x64xi32, #tpu.memory_space<vmem>>
      %dma_wait3A_161 = tpu.memref_squeeze %dma_wait3A_160 : memref<1x1x64xi32, #tpu.memory_space<vmem>> -> memref<64xi32, #tpu.memory_space<vmem>>
      %dma_wait3A_162 = arith.constant 0 : i32
      %dma_wait3A_163 = arith.constant 0 : i32
      %dma_wait3A_164 = tpu.memref_slice %arg6[%dma_wait3A_162, %dma_wait3A_163] : memref<1024x64xf32, #tpu.memory_space<hbm>> -> memref<1024x64xf32, #tpu.memory_space<hbm>>
      tpu.wait_indirect_dma semaphore(%arg27 : memref<!tpu.dma_semaphore, #tpu.memory_space<semaphore_mem>>) src(%dma_wait3A_164 : memref<1024x64xf32, #tpu.memory_space<hbm>>) dst(%arg16 : memref<64x64xf32, #tpu.memory_space<vmem>>)
      %scan3A_165 = arith.constant 0 : i32
      %scan3A_166 = arith.constant 64 : i32
      %scan3A_167 = arith.addi %scan3A_165, %scan3A_166 : i32
      %scan3A_168 = arith.constant 1 : i32
      %scan3A_169:4 = scf.for %scan3A_396 = %scan3A_165 to %scan3A_167 step %scan3A_168 iter_args(%scan3A_397 = %gather3A, %scan3A_398 = %gather3A, %scan3A_399 = %gather3A, %scan3A_400 = %gather3A) -> (vector<16xf32>, vector<16xf32>, vector<16xf32>, vector<16xf32>)  : i32 {
        %broadcast_in_dim3A_401 = vector.broadcast %scan3A_396 : i32 to vector<16xi32>
        %gather3A_402 = tpu.vector_load_idx %arg18[%broadcast_in_dim3A_401] : memref<80xf32, #tpu.memory_space<vmem>>[vector<16xi32>], vector<16xf32>,
        %add3A_403 = arith.constant 0 : i32
        %add3A_404 = vector.broadcast %add3A_403 : i32 to vector<16xi32>
        %add3A_405 = arith.addi %iota3A, %add3A_404 : vector<16xi32>
        %gather3A_406 = tpu.vector_load_idx %arg14[%add3A_405, %broadcast_in_dim3A_401] : memref<64x64xf32, #tpu.memory_space<vmem>>[vector<16xi32>, vector<16xi32>], vector<16xf32>,
        %gather3A_407 = tpu.vector_load_idx %arg15[%add3A_405, %broadcast_in_dim3A_401] : memref<64x64xf32, #tpu.memory_space<vmem>>[vector<16xi32>, vector<16xi32>], vector<16xf32>,
        %gather3A_408 = tpu.vector_load_idx %arg16[%add3A_405, %broadcast_in_dim3A_401] : memref<64x64xf32, #tpu.memory_space<vmem>>[vector<16xi32>, vector<16xi32>], vector<16xf32>,
        %add3A_409 = arith.addf %gather3A_406, %gather3A_407 : vector<16xf32>
        %add3A_410 = arith.addf %add3A_409, %gather3A_408 : vector<16xf32>
        %max3A = arith.constant 0.000000e+00 : f32
        %max3A_411 = vector.broadcast %max3A : f32 to vector<16xf32>
        %max3A_412 = arith.maximumf %add3A_410, %max3A_411 : vector<16xf32>
        %mul3A_413 = arith.mulf %max3A_412, %gather3A_402 : vector<16xf32>
        %add3A_414 = arith.addf %scan3A_397, %mul3A_413 : vector<16xf32>
        %add3A_415 = arith.constant 16 : i32
        %add3A_416 = vector.broadcast %add3A_415 : i32 to vector<16xi32>
        %add3A_417 = arith.addi %iota3A, %add3A_416 : vector<16xi32>
        %gather3A_418 = tpu.vector_load_idx %arg14[%add3A_417, %broadcast_in_dim3A_401] : memref<64x64xf32, #tpu.memory_space<vmem>>[vector<16xi32>, vector<16xi32>], vector<16xf32>,
        %gather3A_419 = tpu.vector_load_idx %arg15[%add3A_417, %broadcast_in_dim3A_401] : memref<64x64xf32, #tpu.memory_space<vmem>>[vector<16xi32>, vector<16xi32>], vector<16xf32>,
        %gather3A_420 = tpu.vector_load_idx %arg16[%add3A_417, %broadcast_in_dim3A_401] : memref<64x64xf32, #tpu.memory_space<vmem>>[vector<16xi32>, vector<16xi32>], vector<16xf32>,
        %add3A_421 = arith.addf %gather3A_418, %gather3A_419 : vector<16xf32>
        %add3A_422 = arith.addf %add3A_421, %gather3A_420 : vector<16xf32>
        %max3A_423 = arith.constant 0.000000e+00 : f32
        %max3A_424 = vector.broadcast %max3A_423 : f32 to vector<16xf32>
        %max3A_425 = arith.maximumf %add3A_422, %max3A_424 : vector<16xf32>
        %mul3A_426 = arith.mulf %max3A_425, %gather3A_402 : vector<16xf32>
        %add3A_427 = arith.addf %scan3A_398, %mul3A_426 : vector<16xf32>
        %add3A_428 = arith.constant 32 : i32
        %add3A_429 = vector.broadcast %add3A_428 : i32 to vector<16xi32>
        %add3A_430 = arith.addi %iota3A, %add3A_429 : vector<16xi32>
        %gather3A_431 = tpu.vector_load_idx %arg14[%add3A_430, %broadcast_in_dim3A_401] : memref<64x64xf32, #tpu.memory_space<vmem>>[vector<16xi32>, vector<16xi32>], vector<16xf32>,
        %gather3A_432 = tpu.vector_load_idx %arg15[%add3A_430, %broadcast_in_dim3A_401] : memref<64x64xf32, #tpu.memory_space<vmem>>[vector<16xi32>, vector<16xi32>], vector<16xf32>,
        %gather3A_433 = tpu.vector_load_idx %arg16[%add3A_430, %broadcast_in_dim3A_401] : memref<64x64xf32, #tpu.memory_space<vmem>>[vector<16xi32>, vector<16xi32>], vector<16xf32>,
        %add3A_434 = arith.addf %gather3A_431, %gather3A_432 : vector<16xf32>
        %add3A_435 = arith.addf %add3A_434, %gather3A_433 : vector<16xf32>
        %max3A_436 = arith.constant 0.000000e+00 : f32
        %max3A_437 = vector.broadcast %max3A_436 : f32 to vector<16xf32>
        %max3A_438 = arith.maximumf %add3A_435, %max3A_437 : vector<16xf32>
        %mul3A_439 = arith.mulf %max3A_438, %gather3A_402 : vector<16xf32>
        %add3A_440 = arith.addf %scan3A_399, %mul3A_439 : vector<16xf32>
        %add3A_441 = arith.constant 48 : i32
        %add3A_442 = vector.broadcast %add3A_441 : i32 to vector<16xi32>
        %add3A_443 = arith.addi %iota3A, %add3A_442 : vector<16xi32>
        %gather3A_444 = tpu.vector_load_idx %arg14[%add3A_443, %broadcast_in_dim3A_401] : memref<64x64xf32, #tpu.memory_space<vmem>>[vector<16xi32>, vector<16xi32>], vector<16xf32>,
        %gather3A_445 = tpu.vector_load_idx %arg15[%add3A_443, %broadcast_in_dim3A_401] : memref<64x64xf32, #tpu.memory_space<vmem>>[vector<16xi32>, vector<16xi32>], vector<16xf32>,
        %gather3A_446 = tpu.vector_load_idx %arg16[%add3A_443, %broadcast_in_dim3A_401] : memref<64x64xf32, #tpu.memory_space<vmem>>[vector<16xi32>, vector<16xi32>], vector<16xf32>,
        %add3A_447 = arith.addf %gather3A_444, %gather3A_445 : vector<16xf32>
        %add3A_448 = arith.addf %add3A_447, %gather3A_446 : vector<16xf32>
        %max3A_449 = arith.constant 0.000000e+00 : f32
        %max3A_450 = vector.broadcast %max3A_449 : f32 to vector<16xf32>
        %max3A_451 = arith.maximumf %add3A_448, %max3A_450 : vector<16xf32>
        %mul3A_452 = arith.mulf %max3A_451, %gather3A_402 : vector<16xf32>
        %add3A_453 = arith.addf %scan3A_400, %mul3A_452 : vector<16xf32>
        scf.yield %add3A_414, %add3A_427, %add3A_440, %add3A_453 : vector<16xf32>, vector<16xf32>, vector<16xf32>, vector<16xf32>
      }
      %scan3A_170 = arith.constant 64 : i32
      %neg3A = arith.constant 0.000000e+00 : f32
      %neg3A_171 = vector.broadcast %neg3A : f32 to vector<16xf32>
      %neg3A_172 = arith.subf %neg3A_171, %scan3A_169#0 : vector<16xf32>
      %exp3A = math.exp %neg3A_172 : vector<16xf32>
      %add3A_173 = arith.constant 1.000000e+00 : f32
      %add3A_174 = vector.broadcast %add3A_173 : f32 to vector<16xf32>
      %add3A_175 = arith.addf %add3A_174, %exp3A : vector<16xf32>
      %div3A = arith.constant 1.000000e+00 : f32
      %div3A_176 = vector.broadcast %div3A : f32 to vector<16xf32>
      %div3A_177 = arith.divf %div3A_176, %add3A_175 : vector<16xf32>
      %swap3A = arith.constant 0 : index
      %swap3A_178 = tpu.vector_load %arg17[%swap3A] {strides = array<i32>} : memref<64xf32, #tpu.memory_space<vmem>>, vector<16xf32>,
      tpu.vector_store %arg17[%swap3A], %div3A_177 {strides = array<i32>} : memref<64xf32, #tpu.memory_space<vmem>>, vector<16xf32>,
      %neg3A_179 = arith.constant 0.000000e+00 : f32
      %neg3A_180 = vector.broadcast %neg3A_179 : f32 to vector<16xf32>
      %neg3A_181 = arith.subf %neg3A_180, %scan3A_169#1 : vector<16xf32>
      %exp3A_182 = math.exp %neg3A_181 : vector<16xf32>
      %add3A_183 = arith.constant 1.000000e+00 : f32
      %add3A_184 = vector.broadcast %add3A_183 : f32 to vector<16xf32>
      %add3A_185 = arith.addf %add3A_184, %exp3A_182 : vector<16xf32>
      %div3A_186 = arith.constant 1.000000e+00 : f32
      %div3A_187 = vector.broadcast %div3A_186 : f32 to vector<16xf32>
      %div3A_188 = arith.divf %div3A_187, %add3A_185 : vector<16xf32>
      %swap3A_189 = arith.constant 16 : index
      %swap3A_190 = tpu.vector_load %arg17[%swap3A_189] {strides = array<i32>} : memref<64xf32, #tpu.memory_space<vmem>>, vector<16xf32>,
      tpu.vector_store %arg17[%swap3A_189], %div3A_188 {strides = array<i32>} : memref<64xf32, #tpu.memory_space<vmem>>, vector<16xf32>,
      %neg3A_191 = arith.constant 0.000000e+00 : f32
      %neg3A_192 = vector.broadcast %neg3A_191 : f32 to vector<16xf32>
      %neg3A_193 = arith.subf %neg3A_192, %scan3A_169#2 : vector<16xf32>
      %exp3A_194 = math.exp %neg3A_193 : vector<16xf32>
      %add3A_195 = arith.constant 1.000000e+00 : f32
      %add3A_196 = vector.broadcast %add3A_195 : f32 to vector<16xf32>
      %add3A_197 = arith.addf %add3A_196, %exp3A_194 : vector<16xf32>
      %div3A_198 = arith.constant 1.000000e+00 : f32
      %div3A_199 = vector.broadcast %div3A_198 : f32 to vector<16xf32>
      %div3A_200 = arith.divf %div3A_199, %add3A_197 : vector<16xf32>
      %swap3A_201 = arith.constant 32 : index
      %swap3A_202 = tpu.vector_load %arg17[%swap3A_201] {strides = array<i32>} : memref<64xf32, #tpu.memory_space<vmem>>, vector<16xf32>,
      tpu.vector_store %arg17[%swap3A_201], %div3A_200 {strides = array<i32>} : memref<64xf32, #tpu.memory_space<vmem>>, vector<16xf32>,
      %neg3A_203 = arith.constant 0.000000e+00 : f32
      %neg3A_204 = vector.broadcast %neg3A_203 : f32 to vector<16xf32>
      %neg3A_205 = arith.subf %neg3A_204, %scan3A_169#3 : vector<16xf32>
      %exp3A_206 = math.exp %neg3A_205 : vector<16xf32>
      %add3A_207 = arith.constant 1.000000e+00 : f32
      %add3A_208 = vector.broadcast %add3A_207 : f32 to vector<16xf32>
      %add3A_209 = arith.addf %add3A_208, %exp3A_206 : vector<16xf32>
      %div3A_210 = arith.constant 1.000000e+00 : f32
      %div3A_211 = vector.broadcast %div3A_210 : f32 to vector<16xf32>
      %div3A_212 = arith.divf %div3A_211, %add3A_209 : vector<16xf32>
      %swap3A_213 = arith.constant 48 : index
      %swap3A_214 = tpu.vector_load %arg17[%swap3A_213] {strides = array<i32>} : memref<64xf32, #tpu.memory_space<vmem>>, vector<16xf32>,
      tpu.vector_store %arg17[%swap3A_213], %div3A_212 {strides = array<i32>} : memref<64xf32, #tpu.memory_space<vmem>>, vector<16xf32>,
      %lt3A = arith.constant 159 : i32
      %lt3A_215 = arith.cmpi slt, %mul3A_140, %lt3A : i32
      %convert_element_type3A = arith.extui %lt3A_215 : i1 to i32
      %cond3A = arith.constant 0 : i32
      %cond3A_216 = arith.cmpi ne, %convert_element_type3A, %cond3A : i32
      scf.if %cond3A_216 {
        %dma_wait3A_396 = arith.constant 1 : i32
        %dma_wait3A_397 = arith.constant 0 : i32
        %dma_wait3A_398 = arith.constant 0 : i32
        %dma_wait3A_399 = tpu.memref_slice %arg11[%dma_wait3A_396, %dma_wait3A_397, %dma_wait3A_398] : memref<2x4x64xi32, #tpu.memory_space<vmem>> -> memref<1x4x64xi32, #tpu.memory_space<vmem>>
        %dma_wait3A_400 = tpu.memref_squeeze %dma_wait3A_399 : memref<1x4x64xi32, #tpu.memory_space<vmem>> -> memref<4x64xi32, #tpu.memory_space<vmem>>
        %dma_wait3A_401 = arith.constant 0 : i32
        %dma_wait3A_402 = arith.constant 0 : i32
        %dma_wait3A_403 = tpu.memref_slice %arg7[%mul3A_16, %dma_wait3A_401, %dma_wait3A_402] : memref<5120x4x64xi32, #tpu.memory_space<hbm>> -> memref<1x4x64xi32, #tpu.memory_space<hbm>>
        %dma_wait3A_404 = tpu.memref_squeeze %dma_wait3A_403 : memref<1x4x64xi32, #tpu.memory_space<hbm>> -> memref<4x64xi32, #tpu.memory_space<hbm>>
        %dma_wait3A_405 = arith.constant 0 : i32
        %dma_wait3A_406 = arith.constant 0 : i32
        %dma_wait3A_407 = tpu.memref_slice %arg11[%dma_wait3A_396, %dma_wait3A_405, %dma_wait3A_406] : memref<2x4x64xi32, #tpu.memory_space<vmem>> -> memref<1x4x64xi32, #tpu.memory_space<vmem>>
        %dma_wait3A_408 = tpu.memref_squeeze %dma_wait3A_407 : memref<1x4x64xi32, #tpu.memory_space<vmem>> -> memref<4x64xi32, #tpu.memory_space<vmem>>
        %dma_wait3A_409 = arith.constant 0 : i32
        %dma_wait3A_410 = arith.constant 0 : i32
        %dma_wait3A_411 = tpu.memref_slice %arg7[%mul3A_16, %dma_wait3A_409, %dma_wait3A_410] : memref<5120x4x64xi32, #tpu.memory_space<hbm>> -> memref<1x4x64xi32, #tpu.memory_space<hbm>>
        %dma_wait3A_412 = tpu.memref_squeeze %dma_wait3A_411 : memref<1x4x64xi32, #tpu.memory_space<hbm>> -> memref<4x64xi32, #tpu.memory_space<hbm>>
        tpu.wait_dma2 semaphore(%arg20 : memref<!tpu.dma_semaphore, #tpu.memory_space<semaphore_mem>>) src(%dma_wait3A_412 : memref<4x64xi32, #tpu.memory_space<hbm>>) dst(%dma_wait3A_408 : memref<4x64xi32, #tpu.memory_space<vmem>>)
        %dma_start3A_413 = arith.constant 1 : i32
        %dma_start3A_414 = arith.constant 0 : i32
        %dma_start3A_415 = arith.constant 0 : i32
        %dma_start3A_416 = tpu.memref_slice %arg11[%dma_start3A_413, %dma_start3A_414, %dma_start3A_415] : memref<2x4x64xi32, #tpu.memory_space<vmem>> -> memref<1x1x64xi32, #tpu.memory_space<vmem>>
        %dma_start3A_417 = tpu.memref_squeeze %dma_start3A_416 : memref<1x1x64xi32, #tpu.memory_space<vmem>> -> memref<64xi32, #tpu.memory_space<vmem>>
        %dma_start3A_418 = arith.constant 0 : i32
        %dma_start3A_419 = arith.constant 0 : i32
        %dma_start3A_420 = tpu.memref_slice %arg3[%dma_start3A_418, %dma_start3A_419] : memref<10000x64xf32, #tpu.memory_space<hbm>> -> memref<10000x64xf32, #tpu.memory_space<hbm>>
        tpu.enqueue_indirect_dma source(%dma_start3A_420 : memref<10000x64xf32, #tpu.memory_space<hbm>>) target(%arg14 : memref<64x64xf32, #tpu.memory_space<vmem>>) offsets(%dma_start3A_417 : memref<64xi32, #tpu.memory_space<vmem>>) semaphore(%arg25 : memref<!tpu.dma_semaphore, #tpu.memory_space<semaphore_mem>>)
        %dma_start3A_421 = arith.constant 1 : i32
        %dma_start3A_422 = arith.constant 1 : i32
        %dma_start3A_423 = arith.constant 0 : i32
        %dma_start3A_424 = tpu.memref_slice %arg11[%dma_start3A_421, %dma_start3A_422, %dma_start3A_423] : memref<2x4x64xi32, #tpu.memory_space<vmem>> -> memref<1x1x64xi32, #tpu.memory_space<vmem>>
        %dma_start3A_425 = tpu.memref_squeeze %dma_start3A_424 : memref<1x1x64xi32, #tpu.memory_space<vmem>> -> memref<64xi32, #tpu.memory_space<vmem>>
        %dma_start3A_426 = arith.constant 0 : i32
        %dma_start3A_427 = arith.constant 0 : i32
        %dma_start3A_428 = tpu.memref_slice %arg5[%dma_start3A_426, %dma_start3A_427] : memref<475x64xf32, #tpu.memory_space<hbm>> -> memref<475x64xf32, #tpu.memory_space<hbm>>
        tpu.enqueue_indirect_dma source(%dma_start3A_428 : memref<475x64xf32, #tpu.memory_space<hbm>>) target(%arg15 : memref<64x64xf32, #tpu.memory_space<vmem>>) offsets(%dma_start3A_425 : memref<64xi32, #tpu.memory_space<vmem>>) semaphore(%arg26 : memref<!tpu.dma_semaphore, #tpu.memory_space<semaphore_mem>>)
        %dma_start3A_429 = arith.constant 1 : i32
        %dma_start3A_430 = arith.constant 2 : i32
        %dma_start3A_431 = arith.constant 0 : i32
        %dma_start3A_432 = tpu.memref_slice %arg11[%dma_start3A_429, %dma_start3A_430, %dma_start3A_431] : memref<2x4x64xi32, #tpu.memory_space<vmem>> -> memref<1x1x64xi32, #tpu.memory_space<vmem>>
        %dma_start3A_433 = tpu.memref_squeeze %dma_start3A_432 : memref<1x1x64xi32, #tpu.memory_space<vmem>> -> memref<64xi32, #tpu.memory_space<vmem>>
        %dma_start3A_434 = arith.constant 0 : i32
        %dma_start3A_435 = arith.constant 0 : i32
        %dma_start3A_436 = tpu.memref_slice %arg6[%dma_start3A_434, %dma_start3A_435] : memref<1024x64xf32, #tpu.memory_space<hbm>> -> memref<1024x64xf32, #tpu.memory_space<hbm>>
        tpu.enqueue_indirect_dma source(%dma_start3A_436 : memref<1024x64xf32, #tpu.memory_space<hbm>>) target(%arg16 : memref<64x64xf32, #tpu.memory_space<vmem>>) offsets(%dma_start3A_433 : memref<64xi32, #tpu.memory_space<vmem>>) semaphore(%arg27 : memref<!tpu.dma_semaphore, #tpu.memory_space<semaphore_mem>>)
      } else {
      }
      %dma_wait3A_217 = arith.constant 0 : i32
      %dma_wait3A_218 = arith.constant 0 : i32
      %dma_wait3A_219 = arith.constant 0 : i32
      %dma_wait3A_220 = arith.constant 0 : i32
      %dma_wait3A_221 = arith.constant 0 : i32
      %dma_wait3A_222 = tpu.memref_slice %arg12[%dma_wait3A_219, %dma_wait3A_220, %dma_wait3A_221] : memref<2x64x128xf32, #tpu.memory_space<vmem>> -> memref<1x64x128xf32, #tpu.memory_space<vmem>>
      %dma_wait3A_223 = tpu.memref_squeeze %dma_wait3A_222 : memref<1x64x128xf32, #tpu.memory_space<vmem>> -> memref<64x128xf32, #tpu.memory_space<vmem>>
      %dma_wait3A_224 = arith.constant 0 : i32
      %dma_wait3A_225 = tpu.memref_slice %arg11[%dma_wait3A_217, %dma_wait3A_218, %dma_wait3A_224] : memref<2x4x64xi32, #tpu.memory_space<vmem>> -> memref<1x1x64xi32, #tpu.memory_space<vmem>>
      %dma_wait3A_226 = tpu.memref_squeeze %dma_wait3A_225 : memref<1x1x64xi32, #tpu.memory_space<vmem>> -> memref<64xi32, #tpu.memory_space<vmem>>
      %dma_wait3A_227 = arith.constant 0 : i32
      %dma_wait3A_228 = arith.constant 0 : i32
      %dma_wait3A_229 = tpu.memref_slice %arg2[%dma_wait3A_227, %dma_wait3A_228] : memref<10000x128xf32, #tpu.memory_space<hbm>> -> memref<10000x128xf32, #tpu.memory_space<hbm>>
      tpu.wait_indirect_dma semaphore(%arg21 : memref<!tpu.dma_semaphore, #tpu.memory_space<semaphore_mem>>) src(%dma_wait3A_229 : memref<10000x128xf32, #tpu.memory_space<hbm>>) dst(%dma_wait3A_223 : memref<64x128xf32, #tpu.memory_space<vmem>>)
      %dma_wait3A_230 = arith.constant 0 : i32
      %dma_wait3A_231 = arith.constant 1 : i32
      %dma_wait3A_232 = arith.constant 0 : i32
      %dma_wait3A_233 = arith.constant 0 : i32
      %dma_wait3A_234 = arith.constant 0 : i32
      %dma_wait3A_235 = tpu.memref_slice %arg13[%dma_wait3A_232, %dma_wait3A_233, %dma_wait3A_234] : memref<2x64x128xf32, #tpu.memory_space<vmem>> -> memref<1x64x128xf32, #tpu.memory_space<vmem>>
      %dma_wait3A_236 = tpu.memref_squeeze %dma_wait3A_235 : memref<1x64x128xf32, #tpu.memory_space<vmem>> -> memref<64x128xf32, #tpu.memory_space<vmem>>
      %dma_wait3A_237 = arith.constant 0 : i32
      %dma_wait3A_238 = tpu.memref_slice %arg11[%dma_wait3A_230, %dma_wait3A_231, %dma_wait3A_237] : memref<2x4x64xi32, #tpu.memory_space<vmem>> -> memref<1x1x64xi32, #tpu.memory_space<vmem>>
      %dma_wait3A_239 = tpu.memref_squeeze %dma_wait3A_238 : memref<1x1x64xi32, #tpu.memory_space<vmem>> -> memref<64xi32, #tpu.memory_space<vmem>>
      %dma_wait3A_240 = arith.constant 0 : i32
      %dma_wait3A_241 = arith.constant 0 : i32
      %dma_wait3A_242 = tpu.memref_slice %arg4[%dma_wait3A_240, %dma_wait3A_241] : memref<475x128xf32, #tpu.memory_space<hbm>> -> memref<475x128xf32, #tpu.memory_space<hbm>>
      tpu.wait_indirect_dma semaphore(%arg23 : memref<!tpu.dma_semaphore, #tpu.memory_space<semaphore_mem>>) src(%dma_wait3A_242 : memref<475x128xf32, #tpu.memory_space<hbm>>) dst(%dma_wait3A_236 : memref<64x128xf32, #tpu.memory_space<vmem>>)
      %scan3A_243 = arith.constant 0 : i32
      %scan3A_244 = arith.constant 0 : i32
      %scan3A_245 = arith.constant 64 : i32
      %scan3A_246 = arith.addi %scan3A_244, %scan3A_245 : i32
      %scan3A_247 = arith.constant 1 : i32
      %scan3A_248 = scf.for %scan3A_396 = %scan3A_244 to %scan3A_246 step %scan3A_247 iter_args(%scan3A_397 = %scan3A_243) -> (i32)  : i32 {
        %broadcast_in_dim3A_398 = vector.broadcast %scan3A_396 : i32 to vector<16xi32>
        %gather3A_399 = tpu.vector_load_idx %arg17[%broadcast_in_dim3A_398] : memref<64xf32, #tpu.memory_space<vmem>>[vector<16xi32>], vector<16xf32>,
        %get3A = arith.constant 0 : i32
        %get3A_400 = arith.index_cast %get3A : i32 to index
        %get3A_401 = arith.index_cast %scan3A_396 : i32 to index
        %get3A_402 = arith.constant 0 : index
        %get3A_403 = tpu.vector_load %arg12[%get3A_400, %get3A_401, %get3A_402] {strides = array<i32>} : memref<2x64x128xf32, #tpu.memory_space<vmem>>, vector<16xf32>,
        %get3A_404 = arith.constant 0 : i32
        %get3A_405 = arith.index_cast %get3A_404 : i32 to index
        %get3A_406 = arith.index_cast %scan3A_396 : i32 to index
        %get3A_407 = arith.constant 0 : index
        %get3A_408 = tpu.vector_load %arg13[%get3A_405, %get3A_406, %get3A_407] {strides = array<i32>} : memref<2x64x128xf32, #tpu.memory_space<vmem>>, vector<16xf32>,
        %mul3A_409 = arith.mulf %get3A_403, %get3A_408 : vector<16xf32>
        %mul3A_410 = arith.mulf %mul3A_409, %gather3A_399 : vector<16xf32>
        %swap3A_411 = arith.constant 0 : i32
        %swap3A_412 = arith.index_cast %swap3A_411 : i32 to index
        %swap3A_413 = arith.index_cast %scan3A_396 : i32 to index
        %swap3A_414 = arith.constant 0 : index
        %swap3A_415 = tpu.vector_load %arg12[%swap3A_412, %swap3A_413, %swap3A_414] {strides = array<i32>} : memref<2x64x128xf32, #tpu.memory_space<vmem>>, vector<16xf32>,
        tpu.vector_store %arg12[%swap3A_412, %swap3A_413, %swap3A_414], %mul3A_410 {strides = array<i32>} : memref<2x64x128xf32, #tpu.memory_space<vmem>>, vector<16xf32>,
        %get3A_416 = arith.constant 0 : i32
        %get3A_417 = arith.index_cast %get3A_416 : i32 to index
        %get3A_418 = arith.index_cast %scan3A_396 : i32 to index
        %get3A_419 = arith.constant 16 : index
        %get3A_420 = tpu.vector_load %arg12[%get3A_417, %get3A_418, %get3A_419] {strides = array<i32>} : memref<2x64x128xf32, #tpu.memory_space<vmem>>, vector<16xf32>,
        %get3A_421 = arith.constant 0 : i32
        %get3A_422 = arith.index_cast %get3A_421 : i32 to index
        %get3A_423 = arith.index_cast %scan3A_396 : i32 to index
        %get3A_424 = arith.constant 16 : index
        %get3A_425 = tpu.vector_load %arg13[%get3A_422, %get3A_423, %get3A_424] {strides = array<i32>} : memref<2x64x128xf32, #tpu.memory_space<vmem>>, vector<16xf32>,
        %mul3A_426 = arith.mulf %get3A_420, %get3A_425 : vector<16xf32>
        %mul3A_427 = arith.mulf %mul3A_426, %gather3A_399 : vector<16xf32>
        %swap3A_428 = arith.constant 0 : i32
        %swap3A_429 = arith.index_cast %swap3A_428 : i32 to index
        %swap3A_430 = arith.index_cast %scan3A_396 : i32 to index
        %swap3A_431 = arith.constant 16 : index
        %swap3A_432 = tpu.vector_load %arg12[%swap3A_429, %swap3A_430, %swap3A_431] {strides = array<i32>} : memref<2x64x128xf32, #tpu.memory_space<vmem>>, vector<16xf32>,
        tpu.vector_store %arg12[%swap3A_429, %swap3A_430, %swap3A_431], %mul3A_427 {strides = array<i32>} : memref<2x64x128xf32, #tpu.memory_space<vmem>>, vector<16xf32>,
        %get3A_433 = arith.constant 0 : i32
        %get3A_434 = arith.index_cast %get3A_433 : i32 to index
        %get3A_435 = arith.index_cast %scan3A_396 : i32 to index
        %get3A_436 = arith.constant 32 : index
        %get3A_437 = tpu.vector_load %arg12[%get3A_434, %get3A_435, %get3A_436] {strides = array<i32>} : memref<2x64x128xf32, #tpu.memory_space<vmem>>, vector<16xf32>,
        %get3A_438 = arith.constant 0 : i32
        %get3A_439 = arith.index_cast %get3A_438 : i32 to index
        %get3A_440 = arith.index_cast %scan3A_396 : i32 to index
        %get3A_441 = arith.constant 32 : index
        %get3A_442 = tpu.vector_load %arg13[%get3A_439, %get3A_440, %get3A_441] {strides = array<i32>} : memref<2x64x128xf32, #tpu.memory_space<vmem>>, vector<16xf32>,
        %mul3A_443 = arith.mulf %get3A_437, %get3A_442 : vector<16xf32>
        %mul3A_444 = arith.mulf %mul3A_443, %gather3A_399 : vector<16xf32>
        %swap3A_445 = arith.constant 0 : i32
        %swap3A_446 = arith.index_cast %swap3A_445 : i32 to index
        %swap3A_447 = arith.index_cast %scan3A_396 : i32 to index
        %swap3A_448 = arith.constant 32 : index
        %swap3A_449 = tpu.vector_load %arg12[%swap3A_446, %swap3A_447, %swap3A_448] {strides = array<i32>} : memref<2x64x128xf32, #tpu.memory_space<vmem>>, vector<16xf32>,
        tpu.vector_store %arg12[%swap3A_446, %swap3A_447, %swap3A_448], %mul3A_444 {strides = array<i32>} : memref<2x64x128xf32, #tpu.memory_space<vmem>>, vector<16xf32>,
        %get3A_450 = arith.constant 0 : i32
        %get3A_451 = arith.index_cast %get3A_450 : i32 to index
        %get3A_452 = arith.index_cast %scan3A_396 : i32 to index
        %get3A_453 = arith.constant 48 : index
        %get3A_454 = tpu.vector_load %arg12[%get3A_451, %get3A_452, %get3A_453] {strides = array<i32>} : memref<2x64x128xf32, #tpu.memory_space<vmem>>, vector<16xf32>,
        %get3A_455 = arith.constant 0 : i32
        %get3A_456 = arith.index_cast %get3A_455 : i32 to index
        %get3A_457 = arith.index_cast %scan3A_396 : i32 to index
        %get3A_458 = arith.constant 48 : index
        %get3A_459 = tpu.vector_load %arg13[%get3A_456, %get3A_457, %get3A_458] {strides = array<i32>} : memref<2x64x128xf32, #tpu.memory_space<vmem>>, vector<16xf32>,
        %mul3A_460 = arith.mulf %get3A_454, %get3A_459 : vector<16xf32>
        %mul3A_461 = arith.mulf %mul3A_460, %gather3A_399 : vector<16xf32>
        %swap3A_462 = arith.constant 0 : i32
        %swap3A_463 = arith.index_cast %swap3A_462 : i32 to index
        %swap3A_464 = arith.index_cast %scan3A_396 : i32 to index
        %swap3A_465 = arith.constant 48 : index
        %swap3A_466 = tpu.vector_load %arg12[%swap3A_463, %swap3A_464, %swap3A_465] {strides = array<i32>} : memref<2x64x128xf32, #tpu.memory_space<vmem>>, vector<16xf32>,
        tpu.vector_store %arg12[%swap3A_463, %swap3A_464, %swap3A_465], %mul3A_461 {strides = array<i32>} : memref<2x64x128xf32, #tpu.memory_space<vmem>>, vector<16xf32>,
        %get3A_467 = arith.constant 0 : i32
        %get3A_468 = arith.index_cast %get3A_467 : i32 to index
        %get3A_469 = arith.index_cast %scan3A_396 : i32 to index
        %get3A_470 = arith.constant 64 : index
        %get3A_471 = tpu.vector_load %arg12[%get3A_468, %get3A_469, %get3A_470] {strides = array<i32>} : memref<2x64x128xf32, #tpu.memory_space<vmem>>, vector<16xf32>,
        %get3A_472 = arith.constant 0 : i32
        %get3A_473 = arith.index_cast %get3A_472 : i32 to index
        %get3A_474 = arith.index_cast %scan3A_396 : i32 to index
        %get3A_475 = arith.constant 64 : index
        %get3A_476 = tpu.vector_load %arg13[%get3A_473, %get3A_474, %get3A_475] {strides = array<i32>} : memref<2x64x128xf32, #tpu.memory_space<vmem>>, vector<16xf32>,
        %mul3A_477 = arith.mulf %get3A_471, %get3A_476 : vector<16xf32>
        %mul3A_478 = arith.mulf %mul3A_477, %gather3A_399 : vector<16xf32>
        %swap3A_479 = arith.constant 0 : i32
        %swap3A_480 = arith.index_cast %swap3A_479 : i32 to index
        %swap3A_481 = arith.index_cast %scan3A_396 : i32 to index
        %swap3A_482 = arith.constant 64 : index
        %swap3A_483 = tpu.vector_load %arg12[%swap3A_480, %swap3A_481, %swap3A_482] {strides = array<i32>} : memref<2x64x128xf32, #tpu.memory_space<vmem>>, vector<16xf32>,
        tpu.vector_store %arg12[%swap3A_480, %swap3A_481, %swap3A_482], %mul3A_478 {strides = array<i32>} : memref<2x64x128xf32, #tpu.memory_space<vmem>>, vector<16xf32>,
        %get3A_484 = arith.constant 0 : i32
        %get3A_485 = arith.index_cast %get3A_484 : i32 to index
        %get3A_486 = arith.index_cast %scan3A_396 : i32 to index
        %get3A_487 = arith.constant 80 : index
        %get3A_488 = tpu.vector_load %arg12[%get3A_485, %get3A_486, %get3A_487] {strides = array<i32>} : memref<2x64x128xf32, #tpu.memory_space<vmem>>, vector<16xf32>,
        %get3A_489 = arith.constant 0 : i32
        %get3A_490 = arith.index_cast %get3A_489 : i32 to index
        %get3A_491 = arith.index_cast %scan3A_396 : i32 to index
        %get3A_492 = arith.constant 80 : index
        %get3A_493 = tpu.vector_load %arg13[%get3A_490, %get3A_491, %get3A_492] {strides = array<i32>} : memref<2x64x128xf32, #tpu.memory_space<vmem>>, vector<16xf32>,
        %mul3A_494 = arith.mulf %get3A_488, %get3A_493 : vector<16xf32>
        %mul3A_495 = arith.mulf %mul3A_494, %gather3A_399 : vector<16xf32>
        %swap3A_496 = arith.constant 0 : i32
        %swap3A_497 = arith.index_cast %swap3A_496 : i32 to index
        %swap3A_498 = arith.index_cast %scan3A_396 : i32 to index
        %swap3A_499 = arith.constant 80 : index
        %swap3A_500 = tpu.vector_load %arg12[%swap3A_497, %swap3A_498, %swap3A_499] {strides = array<i32>} : memref<2x64x128xf32, #tpu.memory_space<vmem>>, vector<16xf32>,
        tpu.vector_store %arg12[%swap3A_497, %swap3A_498, %swap3A_499], %mul3A_495 {strides = array<i32>} : memref<2x64x128xf32, #tpu.memory_space<vmem>>, vector<16xf32>,
        %get3A_501 = arith.constant 0 : i32
        %get3A_502 = arith.index_cast %get3A_501 : i32 to index
        %get3A_503 = arith.index_cast %scan3A_396 : i32 to index
        %get3A_504 = arith.constant 96 : index
        %get3A_505 = tpu.vector_load %arg12[%get3A_502, %get3A_503, %get3A_504] {strides = array<i32>} : memref<2x64x128xf32, #tpu.memory_space<vmem>>, vector<16xf32>,
        %get3A_506 = arith.constant 0 : i32
        %get3A_507 = arith.index_cast %get3A_506 : i32 to index
        %get3A_508 = arith.index_cast %scan3A_396 : i32 to index
        %get3A_509 = arith.constant 96 : index
        %get3A_510 = tpu.vector_load %arg13[%get3A_507, %get3A_508, %get3A_509] {strides = array<i32>} : memref<2x64x128xf32, #tpu.memory_space<vmem>>, vector<16xf32>,
        %mul3A_511 = arith.mulf %get3A_505, %get3A_510 : vector<16xf32>
        %mul3A_512 = arith.mulf %mul3A_511, %gather3A_399 : vector<16xf32>
        %swap3A_513 = arith.constant 0 : i32
        %swap3A_514 = arith.index_cast %swap3A_513 : i32 to index
        %swap3A_515 = arith.index_cast %scan3A_396 : i32 to index
        %swap3A_516 = arith.constant 96 : index
        %swap3A_517 = tpu.vector_load %arg12[%swap3A_514, %swap3A_515, %swap3A_516] {strides = array<i32>} : memref<2x64x128xf32, #tpu.memory_space<vmem>>, vector<16xf32>,
        tpu.vector_store %arg12[%swap3A_514, %swap3A_515, %swap3A_516], %mul3A_512 {strides = array<i32>} : memref<2x64x128xf32, #tpu.memory_space<vmem>>, vector<16xf32>,
        %get3A_518 = arith.constant 0 : i32
        %get3A_519 = arith.index_cast %get3A_518 : i32 to index
        %get3A_520 = arith.index_cast %scan3A_396 : i32 to index
        %get3A_521 = arith.constant 112 : index
        %get3A_522 = tpu.vector_load %arg12[%get3A_519, %get3A_520, %get3A_521] {strides = array<i32>} : memref<2x64x128xf32, #tpu.memory_space<vmem>>, vector<16xf32>,
        %get3A_523 = arith.constant 0 : i32
        %get3A_524 = arith.index_cast %get3A_523 : i32 to index
        %get3A_525 = arith.index_cast %scan3A_396 : i32 to index
        %get3A_526 = arith.constant 112 : index
        %get3A_527 = tpu.vector_load %arg13[%get3A_524, %get3A_525, %get3A_526] {strides = array<i32>} : memref<2x64x128xf32, #tpu.memory_space<vmem>>, vector<16xf32>,
        %mul3A_528 = arith.mulf %get3A_522, %get3A_527 : vector<16xf32>
        %mul3A_529 = arith.mulf %mul3A_528, %gather3A_399 : vector<16xf32>
        %swap3A_530 = arith.constant 0 : i32
        %swap3A_531 = arith.index_cast %swap3A_530 : i32 to index
        %swap3A_532 = arith.index_cast %scan3A_396 : i32 to index
        %swap3A_533 = arith.constant 112 : index
        %swap3A_534 = tpu.vector_load %arg12[%swap3A_531, %swap3A_532, %swap3A_533] {strides = array<i32>} : memref<2x64x128xf32, #tpu.memory_space<vmem>>, vector<16xf32>,
        tpu.vector_store %arg12[%swap3A_531, %swap3A_532, %swap3A_533], %mul3A_529 {strides = array<i32>} : memref<2x64x128xf32, #tpu.memory_space<vmem>>, vector<16xf32>,
        %scan3A_535 = arith.constant 0 : i32
        scf.yield %scan3A_535 : i32
      }
      %scan3A_249 = arith.constant 64 : i32
      %mul3A_250 = arith.constant 640 : i32
      %mul3A_251 = arith.muli %arg1, %mul3A_250 : i32
      %run_scoped3A = arith.constant 0 : i32
      "tpu.region"() ({
        %run_scoped3A_396 = tpu.sem_alloc : memref<!tpu.dma_semaphore, #tpu.memory_space<semaphore_mem>>
        %dma_start3A_397 = arith.constant 0 : i32
        %dma_start3A_398 = arith.constant 0 : i32
        %dma_start3A_399 = tpu.memref_slice %arg12[%run_scoped3A, %dma_start3A_397, %dma_start3A_398] : memref<2x64x128xf32, #tpu.memory_space<vmem>> -> memref<1x64x128xf32, #tpu.memory_space<vmem>>
        %dma_start3A_400 = tpu.memref_squeeze %dma_start3A_399 : memref<1x64x128xf32, #tpu.memory_space<vmem>> -> memref<64x128xf32, #tpu.memory_space<vmem>>
        %dma_start3A_401 = arith.constant 0 : i32
        %dma_start3A_402 = tpu.memref_slice %arg10[%mul3A_251, %dma_start3A_401] : memref<10240x128xf32, #tpu.memory_space<vmem_shared>> -> memref<64x128xf32, #tpu.memory_space<vmem_shared>>
        %dma_start3A_403 = arith.constant 0 : i32
        %dma_start3A_404 = tpu.memref_slice %arg10[%mul3A_251, %dma_start3A_403] : memref<10240x128xf32, #tpu.memory_space<vmem_shared>> -> memref<64x128xf32, #tpu.memory_space<vmem_shared>>
        %dma_start3A_405 = arith.constant 0 : i32
        %dma_start3A_406 = arith.constant 0 : i32
        %dma_start3A_407 = tpu.memref_slice %arg12[%run_scoped3A, %dma_start3A_405, %dma_start3A_406] : memref<2x64x128xf32, #tpu.memory_space<vmem>> -> memref<1x64x128xf32, #tpu.memory_space<vmem>>
        %dma_start3A_408 = tpu.memref_squeeze %dma_start3A_407 : memref<1x64x128xf32, #tpu.memory_space<vmem>> -> memref<64x128xf32, #tpu.memory_space<vmem>>
        tpu.enqueue_dma source(%dma_start3A_408 : memref<64x128xf32, #tpu.memory_space<vmem>>) target(%dma_start3A_404 : memref<64x128xf32, #tpu.memory_space<vmem_shared>>) target_semaphore(%run_scoped3A_396 : memref<!tpu.dma_semaphore, #tpu.memory_space<semaphore_mem>>)
        %dma_wait3A_409 = arith.constant 0 : i32
        %dma_wait3A_410 = arith.constant 0 : i32
        %dma_wait3A_411 = tpu.memref_slice %arg12[%run_scoped3A, %dma_wait3A_409, %dma_wait3A_410] : memref<2x64x128xf32, #tpu.memory_space<vmem>> -> memref<1x64x128xf32, #tpu.memory_space<vmem>>
        %dma_wait3A_412 = tpu.memref_squeeze %dma_wait3A_411 : memref<1x64x128xf32, #tpu.memory_space<vmem>> -> memref<64x128xf32, #tpu.memory_space<vmem>>
        %dma_wait3A_413 = arith.constant 0 : i32
        %dma_wait3A_414 = tpu.memref_slice %arg10[%mul3A_251, %dma_wait3A_413] : memref<10240x128xf32, #tpu.memory_space<vmem_shared>> -> memref<64x128xf32, #tpu.memory_space<vmem_shared>>
        %dma_wait3A_415 = arith.constant 0 : i32
        %dma_wait3A_416 = tpu.memref_slice %arg10[%mul3A_251, %dma_wait3A_415] : memref<10240x128xf32, #tpu.memory_space<vmem_shared>> -> memref<64x128xf32, #tpu.memory_space<vmem_shared>>
        %dma_wait3A_417 = arith.constant 0 : i32
        %dma_wait3A_418 = arith.constant 0 : i32
        %dma_wait3A_419 = tpu.memref_slice %arg12[%run_scoped3A, %dma_wait3A_417, %dma_wait3A_418] : memref<2x64x128xf32, #tpu.memory_space<vmem>> -> memref<1x64x128xf32, #tpu.memory_space<vmem>>
        %dma_wait3A_420 = tpu.memref_squeeze %dma_wait3A_419 : memref<1x64x128xf32, #tpu.memory_space<vmem>> -> memref<64x128xf32, #tpu.memory_space<vmem>>
        tpu.wait_dma2 semaphore(%run_scoped3A_396 : memref<!tpu.dma_semaphore, #tpu.memory_space<semaphore_mem>>) src(%dma_wait3A_420 : memref<64x128xf32, #tpu.memory_space<vmem>>) dst(%dma_wait3A_416 : memref<64x128xf32, #tpu.memory_space<vmem_shared>>)
        tpu.yield
      }) : () -> ()
      %lt3A_252 = arith.constant 159 : i32
      %lt3A_253 = arith.cmpi slt, %mul3A_140, %lt3A_252 : i32
      %convert_element_type3A_254 = arith.extui %lt3A_253 : i1 to i32
      %cond3A_255 = arith.constant 0 : i32
      %cond3A_256 = arith.cmpi ne, %convert_element_type3A_254, %cond3A_255 : i32
      scf.if %cond3A_256 {
        %dma_start3A_396 = arith.constant 1 : i32
        %dma_start3A_397 = arith.constant 0 : i32
        %dma_start3A_398 = arith.constant 1 : i32
        %dma_start3A_399 = arith.constant 0 : i32
        %dma_start3A_400 = arith.constant 0 : i32
        %dma_start3A_401 = tpu.memref_slice %arg12[%dma_start3A_398, %dma_start3A_399, %dma_start3A_400] : memref<2x64x128xf32, #tpu.memory_space<vmem>> -> memref<1x64x128xf32, #tpu.memory_space<vmem>>
        %dma_start3A_402 = tpu.memref_squeeze %dma_start3A_401 : memref<1x64x128xf32, #tpu.memory_space<vmem>> -> memref<64x128xf32, #tpu.memory_space<vmem>>
        %dma_start3A_403 = arith.constant 0 : i32
        %dma_start3A_404 = tpu.memref_slice %arg11[%dma_start3A_396, %dma_start3A_397, %dma_start3A_403] : memref<2x4x64xi32, #tpu.memory_space<vmem>> -> memref<1x1x64xi32, #tpu.memory_space<vmem>>
        %dma_start3A_405 = tpu.memref_squeeze %dma_start3A_404 : memref<1x1x64xi32, #tpu.memory_space<vmem>> -> memref<64xi32, #tpu.memory_space<vmem>>
        %dma_start3A_406 = arith.constant 0 : i32
        %dma_start3A_407 = arith.constant 0 : i32
        %dma_start3A_408 = tpu.memref_slice %arg2[%dma_start3A_406, %dma_start3A_407] : memref<10000x128xf32, #tpu.memory_space<hbm>> -> memref<10000x128xf32, #tpu.memory_space<hbm>>
        tpu.enqueue_indirect_dma source(%dma_start3A_408 : memref<10000x128xf32, #tpu.memory_space<hbm>>) target(%dma_start3A_402 : memref<64x128xf32, #tpu.memory_space<vmem>>) offsets(%dma_start3A_405 : memref<64xi32, #tpu.memory_space<vmem>>) semaphore(%arg22 : memref<!tpu.dma_semaphore, #tpu.memory_space<semaphore_mem>>)
        %dma_start3A_409 = arith.constant 1 : i32
        %dma_start3A_410 = arith.constant 1 : i32
        %dma_start3A_411 = arith.constant 1 : i32
        %dma_start3A_412 = arith.constant 0 : i32
        %dma_start3A_413 = arith.constant 0 : i32
        %dma_start3A_414 = tpu.memref_slice %arg13[%dma_start3A_411, %dma_start3A_412, %dma_start3A_413] : memref<2x64x128xf32, #tpu.memory_space<vmem>> -> memref<1x64x128xf32, #tpu.memory_space<vmem>>
        %dma_start3A_415 = tpu.memref_squeeze %dma_start3A_414 : memref<1x64x128xf32, #tpu.memory_space<vmem>> -> memref<64x128xf32, #tpu.memory_space<vmem>>
        %dma_start3A_416 = arith.constant 0 : i32
        %dma_start3A_417 = tpu.memref_slice %arg11[%dma_start3A_409, %dma_start3A_410, %dma_start3A_416] : memref<2x4x64xi32, #tpu.memory_space<vmem>> -> memref<1x1x64xi32, #tpu.memory_space<vmem>>
        %dma_start3A_418 = tpu.memref_squeeze %dma_start3A_417 : memref<1x1x64xi32, #tpu.memory_space<vmem>> -> memref<64xi32, #tpu.memory_space<vmem>>
        %dma_start3A_419 = arith.constant 0 : i32
        %dma_start3A_420 = arith.constant 0 : i32
        %dma_start3A_421 = tpu.memref_slice %arg4[%dma_start3A_419, %dma_start3A_420] : memref<475x128xf32, #tpu.memory_space<hbm>> -> memref<475x128xf32, #tpu.memory_space<hbm>>
        tpu.enqueue_indirect_dma source(%dma_start3A_421 : memref<475x128xf32, #tpu.memory_space<hbm>>) target(%dma_start3A_415 : memref<64x128xf32, #tpu.memory_space<vmem>>) offsets(%dma_start3A_418 : memref<64xi32, #tpu.memory_space<vmem>>) semaphore(%arg24 : memref<!tpu.dma_semaphore, #tpu.memory_space<semaphore_mem>>)
      } else {
      }
      %lt3A_257 = arith.constant 158 : i32
      %lt3A_258 = arith.cmpi slt, %mul3A_140, %lt3A_257 : i32
      %convert_element_type3A_259 = arith.extui %lt3A_258 : i1 to i32
      %cond3A_260 = arith.constant 0 : i32
      %cond3A_261 = arith.cmpi ne, %convert_element_type3A_259, %cond3A_260 : i32
      scf.if %cond3A_261 {
        %add3A_396 = arith.constant 2 : i32
        %add3A_397 = arith.addi %mul3A_140, %add3A_396 : i32
        %add3A_398 = arith.addi %mul3A_16, %add3A_397 : i32
        %dma_start3A_399 = arith.constant 0 : i32
        %dma_start3A_400 = arith.constant 0 : i32
        %dma_start3A_401 = arith.constant 0 : i32
        %dma_start3A_402 = tpu.memref_slice %arg11[%dma_start3A_399, %dma_start3A_400, %dma_start3A_401] : memref<2x4x64xi32, #tpu.memory_space<vmem>> -> memref<1x4x64xi32, #tpu.memory_space<vmem>>
        %dma_start3A_403 = tpu.memref_squeeze %dma_start3A_402 : memref<1x4x64xi32, #tpu.memory_space<vmem>> -> memref<4x64xi32, #tpu.memory_space<vmem>>
        %dma_start3A_404 = arith.constant 0 : i32
        %dma_start3A_405 = arith.constant 0 : i32
        %dma_start3A_406 = tpu.memref_slice %arg7[%add3A_398, %dma_start3A_404, %dma_start3A_405] : memref<5120x4x64xi32, #tpu.memory_space<hbm>> -> memref<1x4x64xi32, #tpu.memory_space<hbm>>
        %dma_start3A_407 = tpu.memref_squeeze %dma_start3A_406 : memref<1x4x64xi32, #tpu.memory_space<hbm>> -> memref<4x64xi32, #tpu.memory_space<hbm>>
        %dma_start3A_408 = arith.constant 0 : i32
        %dma_start3A_409 = arith.constant 0 : i32
        %dma_start3A_410 = tpu.memref_slice %arg11[%dma_start3A_399, %dma_start3A_408, %dma_start3A_409] : memref<2x4x64xi32, #tpu.memory_space<vmem>> -> memref<1x4x64xi32, #tpu.memory_space<vmem>>
        %dma_start3A_411 = tpu.memref_squeeze %dma_start3A_410 : memref<1x4x64xi32, #tpu.memory_space<vmem>> -> memref<4x64xi32, #tpu.memory_space<vmem>>
        %dma_start3A_412 = arith.constant 0 : i32
        %dma_start3A_413 = arith.constant 0 : i32
        %dma_start3A_414 = tpu.memref_slice %arg7[%add3A_398, %dma_start3A_412, %dma_start3A_413] : memref<5120x4x64xi32, #tpu.memory_space<hbm>> -> memref<1x4x64xi32, #tpu.memory_space<hbm>>
        %dma_start3A_415 = tpu.memref_squeeze %dma_start3A_414 : memref<1x4x64xi32, #tpu.memory_space<hbm>> -> memref<4x64xi32, #tpu.memory_space<hbm>>
        tpu.enqueue_dma source(%dma_start3A_415 : memref<4x64xi32, #tpu.memory_space<hbm>>) target(%dma_start3A_411 : memref<4x64xi32, #tpu.memory_space<vmem>>) target_semaphore(%arg19 : memref<!tpu.dma_semaphore, #tpu.memory_space<semaphore_mem>>)
      } else {
      }
      %mul3A_262 = arith.constant 2 : i32
      %mul3A_263 = arith.muli %mul3A_262, %scan3A_137 : i32
      %add3A_264 = arith.constant 1 : i32
      %add3A_265 = arith.addi %mul3A_263, %add3A_264 : i32
      %dma_wait3A_266 = arith.constant 1 : i32
      %dma_wait3A_267 = arith.constant 0 : i32
      %dma_wait3A_268 = arith.constant 0 : i32
      %dma_wait3A_269 = tpu.memref_slice %arg11[%dma_wait3A_266, %dma_wait3A_267, %dma_wait3A_268] : memref<2x4x64xi32, #tpu.memory_space<vmem>> -> memref<1x1x64xi32, #tpu.memory_space<vmem>>
      %dma_wait3A_270 = tpu.memref_squeeze %dma_wait3A_269 : memref<1x1x64xi32, #tpu.memory_space<vmem>> -> memref<64xi32, #tpu.memory_space<vmem>>
      %dma_wait3A_271 = arith.constant 0 : i32
      %dma_wait3A_272 = arith.constant 0 : i32
      %dma_wait3A_273 = tpu.memref_slice %arg3[%dma_wait3A_271, %dma_wait3A_272] : memref<10000x64xf32, #tpu.memory_space<hbm>> -> memref<10000x64xf32, #tpu.memory_space<hbm>>
      tpu.wait_indirect_dma semaphore(%arg25 : memref<!tpu.dma_semaphore, #tpu.memory_space<semaphore_mem>>) src(%dma_wait3A_273 : memref<10000x64xf32, #tpu.memory_space<hbm>>) dst(%arg14 : memref<64x64xf32, #tpu.memory_space<vmem>>)
      %dma_wait3A_274 = arith.constant 1 : i32
      %dma_wait3A_275 = arith.constant 1 : i32
      %dma_wait3A_276 = arith.constant 0 : i32
      %dma_wait3A_277 = tpu.memref_slice %arg11[%dma_wait3A_274, %dma_wait3A_275, %dma_wait3A_276] : memref<2x4x64xi32, #tpu.memory_space<vmem>> -> memref<1x1x64xi32, #tpu.memory_space<vmem>>
      %dma_wait3A_278 = tpu.memref_squeeze %dma_wait3A_277 : memref<1x1x64xi32, #tpu.memory_space<vmem>> -> memref<64xi32, #tpu.memory_space<vmem>>
      %dma_wait3A_279 = arith.constant 0 : i32
      %dma_wait3A_280 = arith.constant 0 : i32
      %dma_wait3A_281 = tpu.memref_slice %arg5[%dma_wait3A_279, %dma_wait3A_280] : memref<475x64xf32, #tpu.memory_space<hbm>> -> memref<475x64xf32, #tpu.memory_space<hbm>>
      tpu.wait_indirect_dma semaphore(%arg26 : memref<!tpu.dma_semaphore, #tpu.memory_space<semaphore_mem>>) src(%dma_wait3A_281 : memref<475x64xf32, #tpu.memory_space<hbm>>) dst(%arg15 : memref<64x64xf32, #tpu.memory_space<vmem>>)
      %dma_wait3A_282 = arith.constant 1 : i32
      %dma_wait3A_283 = arith.constant 2 : i32
      %dma_wait3A_284 = arith.constant 0 : i32
      %dma_wait3A_285 = tpu.memref_slice %arg11[%dma_wait3A_282, %dma_wait3A_283, %dma_wait3A_284] : memref<2x4x64xi32, #tpu.memory_space<vmem>> -> memref<1x1x64xi32, #tpu.memory_space<vmem>>
      %dma_wait3A_286 = tpu.memref_squeeze %dma_wait3A_285 : memref<1x1x64xi32, #tpu.memory_space<vmem>> -> memref<64xi32, #tpu.memory_space<vmem>>
      %dma_wait3A_287 = arith.constant 0 : i32
      %dma_wait3A_288 = arith.constant 0 : i32
      %dma_wait3A_289 = tpu.memref_slice %arg6[%dma_wait3A_287, %dma_wait3A_288] : memref<1024x64xf32, #tpu.memory_space<hbm>> -> memref<1024x64xf32, #tpu.memory_space<hbm>>
      tpu.wait_indirect_dma semaphore(%arg27 : memref<!tpu.dma_semaphore, #tpu.memory_space<semaphore_mem>>) src(%dma_wait3A_289 : memref<1024x64xf32, #tpu.memory_space<hbm>>) dst(%arg16 : memref<64x64xf32, #tpu.memory_space<vmem>>)
      %scan3A_290 = arith.constant 0 : i32
      %scan3A_291 = arith.constant 64 : i32
      %scan3A_292 = arith.addi %scan3A_290, %scan3A_291 : i32
      %scan3A_293 = arith.constant 1 : i32
      %scan3A_294:4 = scf.for %scan3A_396 = %scan3A_290 to %scan3A_292 step %scan3A_293 iter_args(%scan3A_397 = %gather3A, %scan3A_398 = %gather3A, %scan3A_399 = %gather3A, %scan3A_400 = %gather3A) -> (vector<16xf32>, vector<16xf32>, vector<16xf32>, vector<16xf32>)  : i32 {
        %broadcast_in_dim3A_401 = vector.broadcast %scan3A_396 : i32 to vector<16xi32>
        %gather3A_402 = tpu.vector_load_idx %arg18[%broadcast_in_dim3A_401] : memref<80xf32, #tpu.memory_space<vmem>>[vector<16xi32>], vector<16xf32>,
        %add3A_403 = arith.constant 0 : i32
        %add3A_404 = vector.broadcast %add3A_403 : i32 to vector<16xi32>
        %add3A_405 = arith.addi %iota3A, %add3A_404 : vector<16xi32>
        %gather3A_406 = tpu.vector_load_idx %arg14[%add3A_405, %broadcast_in_dim3A_401] : memref<64x64xf32, #tpu.memory_space<vmem>>[vector<16xi32>, vector<16xi32>], vector<16xf32>,
        %gather3A_407 = tpu.vector_load_idx %arg15[%add3A_405, %broadcast_in_dim3A_401] : memref<64x64xf32, #tpu.memory_space<vmem>>[vector<16xi32>, vector<16xi32>], vector<16xf32>,
        %gather3A_408 = tpu.vector_load_idx %arg16[%add3A_405, %broadcast_in_dim3A_401] : memref<64x64xf32, #tpu.memory_space<vmem>>[vector<16xi32>, vector<16xi32>], vector<16xf32>,
        %add3A_409 = arith.addf %gather3A_406, %gather3A_407 : vector<16xf32>
        %add3A_410 = arith.addf %add3A_409, %gather3A_408 : vector<16xf32>
        %max3A = arith.constant 0.000000e+00 : f32
        %max3A_411 = vector.broadcast %max3A : f32 to vector<16xf32>
        %max3A_412 = arith.maximumf %add3A_410, %max3A_411 : vector<16xf32>
        %mul3A_413 = arith.mulf %max3A_412, %gather3A_402 : vector<16xf32>
        %add3A_414 = arith.addf %scan3A_397, %mul3A_413 : vector<16xf32>
        %add3A_415 = arith.constant 16 : i32
        %add3A_416 = vector.broadcast %add3A_415 : i32 to vector<16xi32>
        %add3A_417 = arith.addi %iota3A, %add3A_416 : vector<16xi32>
        %gather3A_418 = tpu.vector_load_idx %arg14[%add3A_417, %broadcast_in_dim3A_401] : memref<64x64xf32, #tpu.memory_space<vmem>>[vector<16xi32>, vector<16xi32>], vector<16xf32>,
        %gather3A_419 = tpu.vector_load_idx %arg15[%add3A_417, %broadcast_in_dim3A_401] : memref<64x64xf32, #tpu.memory_space<vmem>>[vector<16xi32>, vector<16xi32>], vector<16xf32>,
        %gather3A_420 = tpu.vector_load_idx %arg16[%add3A_417, %broadcast_in_dim3A_401] : memref<64x64xf32, #tpu.memory_space<vmem>>[vector<16xi32>, vector<16xi32>], vector<16xf32>,
        %add3A_421 = arith.addf %gather3A_418, %gather3A_419 : vector<16xf32>
        %add3A_422 = arith.addf %add3A_421, %gather3A_420 : vector<16xf32>
        %max3A_423 = arith.constant 0.000000e+00 : f32
        %max3A_424 = vector.broadcast %max3A_423 : f32 to vector<16xf32>
        %max3A_425 = arith.maximumf %add3A_422, %max3A_424 : vector<16xf32>
        %mul3A_426 = arith.mulf %max3A_425, %gather3A_402 : vector<16xf32>
        %add3A_427 = arith.addf %scan3A_398, %mul3A_426 : vector<16xf32>
        %add3A_428 = arith.constant 32 : i32
        %add3A_429 = vector.broadcast %add3A_428 : i32 to vector<16xi32>
        %add3A_430 = arith.addi %iota3A, %add3A_429 : vector<16xi32>
        %gather3A_431 = tpu.vector_load_idx %arg14[%add3A_430, %broadcast_in_dim3A_401] : memref<64x64xf32, #tpu.memory_space<vmem>>[vector<16xi32>, vector<16xi32>], vector<16xf32>,
        %gather3A_432 = tpu.vector_load_idx %arg15[%add3A_430, %broadcast_in_dim3A_401] : memref<64x64xf32, #tpu.memory_space<vmem>>[vector<16xi32>, vector<16xi32>], vector<16xf32>,
        %gather3A_433 = tpu.vector_load_idx %arg16[%add3A_430, %broadcast_in_dim3A_401] : memref<64x64xf32, #tpu.memory_space<vmem>>[vector<16xi32>, vector<16xi32>], vector<16xf32>,
        %add3A_434 = arith.addf %gather3A_431, %gather3A_432 : vector<16xf32>
        %add3A_435 = arith.addf %add3A_434, %gather3A_433 : vector<16xf32>
        %max3A_436 = arith.constant 0.000000e+00 : f32
        %max3A_437 = vector.broadcast %max3A_436 : f32 to vector<16xf32>
        %max3A_438 = arith.maximumf %add3A_435, %max3A_437 : vector<16xf32>
        %mul3A_439 = arith.mulf %max3A_438, %gather3A_402 : vector<16xf32>
        %add3A_440 = arith.addf %scan3A_399, %mul3A_439 : vector<16xf32>
        %add3A_441 = arith.constant 48 : i32
        %add3A_442 = vector.broadcast %add3A_441 : i32 to vector<16xi32>
        %add3A_443 = arith.addi %iota3A, %add3A_442 : vector<16xi32>
        %gather3A_444 = tpu.vector_load_idx %arg14[%add3A_443, %broadcast_in_dim3A_401] : memref<64x64xf32, #tpu.memory_space<vmem>>[vector<16xi32>, vector<16xi32>], vector<16xf32>,
        %gather3A_445 = tpu.vector_load_idx %arg15[%add3A_443, %broadcast_in_dim3A_401] : memref<64x64xf32, #tpu.memory_space<vmem>>[vector<16xi32>, vector<16xi32>], vector<16xf32>,
        %gather3A_446 = tpu.vector_load_idx %arg16[%add3A_443, %broadcast_in_dim3A_401] : memref<64x64xf32, #tpu.memory_space<vmem>>[vector<16xi32>, vector<16xi32>], vector<16xf32>,
        %add3A_447 = arith.addf %gather3A_444, %gather3A_445 : vector<16xf32>
        %add3A_448 = arith.addf %add3A_447, %gather3A_446 : vector<16xf32>
        %max3A_449 = arith.constant 0.000000e+00 : f32
        %max3A_450 = vector.broadcast %max3A_449 : f32 to vector<16xf32>
        %max3A_451 = arith.maximumf %add3A_448, %max3A_450 : vector<16xf32>
        %mul3A_452 = arith.mulf %max3A_451, %gather3A_402 : vector<16xf32>
        %add3A_453 = arith.addf %scan3A_400, %mul3A_452 : vector<16xf32>
        scf.yield %add3A_414, %add3A_427, %add3A_440, %add3A_453 : vector<16xf32>, vector<16xf32>, vector<16xf32>, vector<16xf32>
      }
      %scan3A_295 = arith.constant 64 : i32
      %neg3A_296 = arith.constant 0.000000e+00 : f32
      %neg3A_297 = vector.broadcast %neg3A_296 : f32 to vector<16xf32>
      %neg3A_298 = arith.subf %neg3A_297, %scan3A_294#0 : vector<16xf32>
      %exp3A_299 = math.exp %neg3A_298 : vector<16xf32>
      %add3A_300 = arith.constant 1.000000e+00 : f32
      %add3A_301 = vector.broadcast %add3A_300 : f32 to vector<16xf32>
      %add3A_302 = arith.addf %add3A_301, %exp3A_299 : vector<16xf32>
      %div3A_303 = arith.constant 1.000000e+00 : f32
      %div3A_304 = vector.broadcast %div3A_303 : f32 to vector<16xf32>
      %div3A_305 = arith.divf %div3A_304, %add3A_302 : vector<16xf32>
      %swap3A_306 = arith.constant 0 : index
      %swap3A_307 = tpu.vector_load %arg17[%swap3A_306] {strides = array<i32>} : memref<64xf32, #tpu.memory_space<vmem>>, vector<16xf32>,
      tpu.vector_store %arg17[%swap3A_306], %div3A_305 {strides = array<i32>} : memref<64xf32, #tpu.memory_space<vmem>>, vector<16xf32>,
      %neg3A_308 = arith.constant 0.000000e+00 : f32
      %neg3A_309 = vector.broadcast %neg3A_308 : f32 to vector<16xf32>
      %neg3A_310 = arith.subf %neg3A_309, %scan3A_294#1 : vector<16xf32>
      %exp3A_311 = math.exp %neg3A_310 : vector<16xf32>
      %add3A_312 = arith.constant 1.000000e+00 : f32
      %add3A_313 = vector.broadcast %add3A_312 : f32 to vector<16xf32>
      %add3A_314 = arith.addf %add3A_313, %exp3A_311 : vector<16xf32>
      %div3A_315 = arith.constant 1.000000e+00 : f32
      %div3A_316 = vector.broadcast %div3A_315 : f32 to vector<16xf32>
      %div3A_317 = arith.divf %div3A_316, %add3A_314 : vector<16xf32>
      %swap3A_318 = arith.constant 16 : index
      %swap3A_319 = tpu.vector_load %arg17[%swap3A_318] {strides = array<i32>} : memref<64xf32, #tpu.memory_space<vmem>>, vector<16xf32>,
      tpu.vector_store %arg17[%swap3A_318], %div3A_317 {strides = array<i32>} : memref<64xf32, #tpu.memory_space<vmem>>, vector<16xf32>,
      %neg3A_320 = arith.constant 0.000000e+00 : f32
      %neg3A_321 = vector.broadcast %neg3A_320 : f32 to vector<16xf32>
      %neg3A_322 = arith.subf %neg3A_321, %scan3A_294#2 : vector<16xf32>
      %exp3A_323 = math.exp %neg3A_322 : vector<16xf32>
      %add3A_324 = arith.constant 1.000000e+00 : f32
      %add3A_325 = vector.broadcast %add3A_324 : f32 to vector<16xf32>
      %add3A_326 = arith.addf %add3A_325, %exp3A_323 : vector<16xf32>
      %div3A_327 = arith.constant 1.000000e+00 : f32
      %div3A_328 = vector.broadcast %div3A_327 : f32 to vector<16xf32>
      %div3A_329 = arith.divf %div3A_328, %add3A_326 : vector<16xf32>
      %swap3A_330 = arith.constant 32 : index
      %swap3A_331 = tpu.vector_load %arg17[%swap3A_330] {strides = array<i32>} : memref<64xf32, #tpu.memory_space<vmem>>, vector<16xf32>,
      tpu.vector_store %arg17[%swap3A_330], %div3A_329 {strides = array<i32>} : memref<64xf32, #tpu.memory_space<vmem>>, vector<16xf32>,
      %neg3A_332 = arith.constant 0.000000e+00 : f32
      %neg3A_333 = vector.broadcast %neg3A_332 : f32 to vector<16xf32>
      %neg3A_334 = arith.subf %neg3A_333, %scan3A_294#3 : vector<16xf32>
      %exp3A_335 = math.exp %neg3A_334 : vector<16xf32>
      %add3A_336 = arith.constant 1.000000e+00 : f32
      %add3A_337 = vector.broadcast %add3A_336 : f32 to vector<16xf32>
      %add3A_338 = arith.addf %add3A_337, %exp3A_335 : vector<16xf32>
      %div3A_339 = arith.constant 1.000000e+00 : f32
      %div3A_340 = vector.broadcast %div3A_339 : f32 to vector<16xf32>
      %div3A_341 = arith.divf %div3A_340, %add3A_338 : vector<16xf32>
      %swap3A_342 = arith.constant 48 : index
      %swap3A_343 = tpu.vector_load %arg17[%swap3A_342] {strides = array<i32>} : memref<64xf32, #tpu.memory_space<vmem>>, vector<16xf32>,
      tpu.vector_store %arg17[%swap3A_342], %div3A_341 {strides = array<i32>} : memref<64xf32, #tpu.memory_space<vmem>>, vector<16xf32>,
      %lt3A_344 = arith.constant 159 : i32
      %lt3A_345 = arith.cmpi slt, %add3A_265, %lt3A_344 : i32
      %convert_element_type3A_346 = arith.extui %lt3A_345 : i1 to i32
      %cond3A_347 = arith.constant 0 : i32
      %cond3A_348 = arith.cmpi ne, %convert_element_type3A_346, %cond3A_347 : i32
      scf.if %cond3A_348 {
        %dma_wait3A_396 = arith.constant 0 : i32
        %dma_wait3A_397 = arith.constant 0 : i32
        %dma_wait3A_398 = arith.constant 0 : i32
        %dma_wait3A_399 = tpu.memref_slice %arg11[%dma_wait3A_396, %dma_wait3A_397, %dma_wait3A_398] : memref<2x4x64xi32, #tpu.memory_space<vmem>> -> memref<1x4x64xi32, #tpu.memory_space<vmem>>
        %dma_wait3A_400 = tpu.memref_squeeze %dma_wait3A_399 : memref<1x4x64xi32, #tpu.memory_space<vmem>> -> memref<4x64xi32, #tpu.memory_space<vmem>>
        %dma_wait3A_401 = arith.constant 0 : i32
        %dma_wait3A_402 = arith.constant 0 : i32
        %dma_wait3A_403 = tpu.memref_slice %arg7[%mul3A_16, %dma_wait3A_401, %dma_wait3A_402] : memref<5120x4x64xi32, #tpu.memory_space<hbm>> -> memref<1x4x64xi32, #tpu.memory_space<hbm>>
        %dma_wait3A_404 = tpu.memref_squeeze %dma_wait3A_403 : memref<1x4x64xi32, #tpu.memory_space<hbm>> -> memref<4x64xi32, #tpu.memory_space<hbm>>
        %dma_wait3A_405 = arith.constant 0 : i32
        %dma_wait3A_406 = arith.constant 0 : i32
        %dma_wait3A_407 = tpu.memref_slice %arg11[%dma_wait3A_396, %dma_wait3A_405, %dma_wait3A_406] : memref<2x4x64xi32, #tpu.memory_space<vmem>> -> memref<1x4x64xi32, #tpu.memory_space<vmem>>
        %dma_wait3A_408 = tpu.memref_squeeze %dma_wait3A_407 : memref<1x4x64xi32, #tpu.memory_space<vmem>> -> memref<4x64xi32, #tpu.memory_space<vmem>>
        %dma_wait3A_409 = arith.constant 0 : i32
        %dma_wait3A_410 = arith.constant 0 : i32
        %dma_wait3A_411 = tpu.memref_slice %arg7[%mul3A_16, %dma_wait3A_409, %dma_wait3A_410] : memref<5120x4x64xi32, #tpu.memory_space<hbm>> -> memref<1x4x64xi32, #tpu.memory_space<hbm>>
        %dma_wait3A_412 = tpu.memref_squeeze %dma_wait3A_411 : memref<1x4x64xi32, #tpu.memory_space<hbm>> -> memref<4x64xi32, #tpu.memory_space<hbm>>
        tpu.wait_dma2 semaphore(%arg19 : memref<!tpu.dma_semaphore, #tpu.memory_space<semaphore_mem>>) src(%dma_wait3A_412 : memref<4x64xi32, #tpu.memory_space<hbm>>) dst(%dma_wait3A_408 : memref<4x64xi32, #tpu.memory_space<vmem>>)
        %dma_start3A_413 = arith.constant 0 : i32
        %dma_start3A_414 = arith.constant 0 : i32
        %dma_start3A_415 = arith.constant 0 : i32
        %dma_start3A_416 = tpu.memref_slice %arg11[%dma_start3A_413, %dma_start3A_414, %dma_start3A_415] : memref<2x4x64xi32, #tpu.memory_space<vmem>> -> memref<1x1x64xi32, #tpu.memory_space<vmem>>
        %dma_start3A_417 = tpu.memref_squeeze %dma_start3A_416 : memref<1x1x64xi32, #tpu.memory_space<vmem>> -> memref<64xi32, #tpu.memory_space<vmem>>
        %dma_start3A_418 = arith.constant 0 : i32
        %dma_start3A_419 = arith.constant 0 : i32
        %dma_start3A_420 = tpu.memref_slice %arg3[%dma_start3A_418, %dma_start3A_419] : memref<10000x64xf32, #tpu.memory_space<hbm>> -> memref<10000x64xf32, #tpu.memory_space<hbm>>
        tpu.enqueue_indirect_dma source(%dma_start3A_420 : memref<10000x64xf32, #tpu.memory_space<hbm>>) target(%arg14 : memref<64x64xf32, #tpu.memory_space<vmem>>) offsets(%dma_start3A_417 : memref<64xi32, #tpu.memory_space<vmem>>) semaphore(%arg25 : memref<!tpu.dma_semaphore, #tpu.memory_space<semaphore_mem>>)
        %dma_start3A_421 = arith.constant 0 : i32
        %dma_start3A_422 = arith.constant 1 : i32
        %dma_start3A_423 = arith.constant 0 : i32
        %dma_start3A_424 = tpu.memref_slice %arg11[%dma_start3A_421, %dma_start3A_422, %dma_start3A_423] : memref<2x4x64xi32, #tpu.memory_space<vmem>> -> memref<1x1x64xi32, #tpu.memory_space<vmem>>
        %dma_start3A_425 = tpu.memref_squeeze %dma_start3A_424 : memref<1x1x64xi32, #tpu.memory_space<vmem>> -> memref<64xi32, #tpu.memory_space<vmem>>
        %dma_start3A_426 = arith.constant 0 : i32
        %dma_start3A_427 = arith.constant 0 : i32
        %dma_start3A_428 = tpu.memref_slice %arg5[%dma_start3A_426, %dma_start3A_427] : memref<475x64xf32, #tpu.memory_space<hbm>> -> memref<475x64xf32, #tpu.memory_space<hbm>>
        tpu.enqueue_indirect_dma source(%dma_start3A_428 : memref<475x64xf32, #tpu.memory_space<hbm>>) target(%arg15 : memref<64x64xf32, #tpu.memory_space<vmem>>) offsets(%dma_start3A_425 : memref<64xi32, #tpu.memory_space<vmem>>) semaphore(%arg26 : memref<!tpu.dma_semaphore, #tpu.memory_space<semaphore_mem>>)
        %dma_start3A_429 = arith.constant 0 : i32
        %dma_start3A_430 = arith.constant 2 : i32
        %dma_start3A_431 = arith.constant 0 : i32
        %dma_start3A_432 = tpu.memref_slice %arg11[%dma_start3A_429, %dma_start3A_430, %dma_start3A_431] : memref<2x4x64xi32, #tpu.memory_space<vmem>> -> memref<1x1x64xi32, #tpu.memory_space<vmem>>
        %dma_start3A_433 = tpu.memref_squeeze %dma_start3A_432 : memref<1x1x64xi32, #tpu.memory_space<vmem>> -> memref<64xi32, #tpu.memory_space<vmem>>
        %dma_start3A_434 = arith.constant 0 : i32
        %dma_start3A_435 = arith.constant 0 : i32
        %dma_start3A_436 = tpu.memref_slice %arg6[%dma_start3A_434, %dma_start3A_435] : memref<1024x64xf32, #tpu.memory_space<hbm>> -> memref<1024x64xf32, #tpu.memory_space<hbm>>
        tpu.enqueue_indirect_dma source(%dma_start3A_436 : memref<1024x64xf32, #tpu.memory_space<hbm>>) target(%arg16 : memref<64x64xf32, #tpu.memory_space<vmem>>) offsets(%dma_start3A_433 : memref<64xi32, #tpu.memory_space<vmem>>) semaphore(%arg27 : memref<!tpu.dma_semaphore, #tpu.memory_space<semaphore_mem>>)
      } else {
      }
      %dma_wait3A_349 = arith.constant 1 : i32
      %dma_wait3A_350 = arith.constant 0 : i32
      %dma_wait3A_351 = arith.constant 1 : i32
      %dma_wait3A_352 = arith.constant 0 : i32
      %dma_wait3A_353 = arith.constant 0 : i32
      %dma_wait3A_354 = tpu.memref_slice %arg12[%dma_wait3A_351, %dma_wait3A_352, %dma_wait3A_353] : memref<2x64x128xf32, #tpu.memory_space<vmem>> -> memref<1x64x128xf32, #tpu.memory_space<vmem>>
      %dma_wait3A_355 = tpu.memref_squeeze %dma_wait3A_354 : memref<1x64x128xf32, #tpu.memory_space<vmem>> -> memref<64x128xf32, #tpu.memory_space<vmem>>
      %dma_wait3A_356 = arith.constant 0 : i32
      %dma_wait3A_357 = tpu.memref_slice %arg11[%dma_wait3A_349, %dma_wait3A_350, %dma_wait3A_356] : memref<2x4x64xi32, #tpu.memory_space<vmem>> -> memref<1x1x64xi32, #tpu.memory_space<vmem>>
      %dma_wait3A_358 = tpu.memref_squeeze %dma_wait3A_357 : memref<1x1x64xi32, #tpu.memory_space<vmem>> -> memref<64xi32, #tpu.memory_space<vmem>>
      %dma_wait3A_359 = arith.constant 0 : i32
      %dma_wait3A_360 = arith.constant 0 : i32
      %dma_wait3A_361 = tpu.memref_slice %arg2[%dma_wait3A_359, %dma_wait3A_360] : memref<10000x128xf32, #tpu.memory_space<hbm>> -> memref<10000x128xf32, #tpu.memory_space<hbm>>
      tpu.wait_indirect_dma semaphore(%arg22 : memref<!tpu.dma_semaphore, #tpu.memory_space<semaphore_mem>>) src(%dma_wait3A_361 : memref<10000x128xf32, #tpu.memory_space<hbm>>) dst(%dma_wait3A_355 : memref<64x128xf32, #tpu.memory_space<vmem>>)
      %dma_wait3A_362 = arith.constant 1 : i32
      %dma_wait3A_363 = arith.constant 1 : i32
      %dma_wait3A_364 = arith.constant 1 : i32
      %dma_wait3A_365 = arith.constant 0 : i32
      %dma_wait3A_366 = arith.constant 0 : i32
      %dma_wait3A_367 = tpu.memref_slice %arg13[%dma_wait3A_364, %dma_wait3A_365, %dma_wait3A_366] : memref<2x64x128xf32, #tpu.memory_space<vmem>> -> memref<1x64x128xf32, #tpu.memory_space<vmem>>
      %dma_wait3A_368 = tpu.memref_squeeze %dma_wait3A_367 : memref<1x64x128xf32, #tpu.memory_space<vmem>> -> memref<64x128xf32, #tpu.memory_space<vmem>>
      %dma_wait3A_369 = arith.constant 0 : i32
      %dma_wait3A_370 = tpu.memref_slice %arg11[%dma_wait3A_362, %dma_wait3A_363, %dma_wait3A_369] : memref<2x4x64xi32, #tpu.memory_space<vmem>> -> memref<1x1x64xi32, #tpu.memory_space<vmem>>
      %dma_wait3A_371 = tpu.memref_squeeze %dma_wait3A_370 : memref<1x1x64xi32, #tpu.memory_space<vmem>> -> memref<64xi32, #tpu.memory_space<vmem>>
      %dma_wait3A_372 = arith.constant 0 : i32
      %dma_wait3A_373 = arith.constant 0 : i32
      %dma_wait3A_374 = tpu.memref_slice %arg4[%dma_wait3A_372, %dma_wait3A_373] : memref<475x128xf32, #tpu.memory_space<hbm>> -> memref<475x128xf32, #tpu.memory_space<hbm>>
      tpu.wait_indirect_dma semaphore(%arg24 : memref<!tpu.dma_semaphore, #tpu.memory_space<semaphore_mem>>) src(%dma_wait3A_374 : memref<475x128xf32, #tpu.memory_space<hbm>>) dst(%dma_wait3A_368 : memref<64x128xf32, #tpu.memory_space<vmem>>)
      %scan3A_375 = arith.constant 0 : i32
      %scan3A_376 = arith.constant 0 : i32
      %scan3A_377 = arith.constant 64 : i32
      %scan3A_378 = arith.addi %scan3A_376, %scan3A_377 : i32
      %scan3A_379 = arith.constant 1 : i32
      %scan3A_380 = scf.for %scan3A_396 = %scan3A_376 to %scan3A_378 step %scan3A_379 iter_args(%scan3A_397 = %scan3A_375) -> (i32)  : i32 {
        %broadcast_in_dim3A_398 = vector.broadcast %scan3A_396 : i32 to vector<16xi32>
        %gather3A_399 = tpu.vector_load_idx %arg17[%broadcast_in_dim3A_398] : memref<64xf32, #tpu.memory_space<vmem>>[vector<16xi32>], vector<16xf32>,
        %get3A = arith.constant 1 : i32
        %get3A_400 = arith.index_cast %get3A : i32 to index
        %get3A_401 = arith.index_cast %scan3A_396 : i32 to index
        %get3A_402 = arith.constant 0 : index
        %get3A_403 = tpu.vector_load %arg12[%get3A_400, %get3A_401, %get3A_402] {strides = array<i32>} : memref<2x64x128xf32, #tpu.memory_space<vmem>>, vector<16xf32>,
        %get3A_404 = arith.constant 1 : i32
        %get3A_405 = arith.index_cast %get3A_404 : i32 to index
        %get3A_406 = arith.index_cast %scan3A_396 : i32 to index
        %get3A_407 = arith.constant 0 : index
        %get3A_408 = tpu.vector_load %arg13[%get3A_405, %get3A_406, %get3A_407] {strides = array<i32>} : memref<2x64x128xf32, #tpu.memory_space<vmem>>, vector<16xf32>,
        %mul3A_409 = arith.mulf %get3A_403, %get3A_408 : vector<16xf32>
        %mul3A_410 = arith.mulf %mul3A_409, %gather3A_399 : vector<16xf32>
        %swap3A_411 = arith.constant 1 : i32
        %swap3A_412 = arith.index_cast %swap3A_411 : i32 to index
        %swap3A_413 = arith.index_cast %scan3A_396 : i32 to index
        %swap3A_414 = arith.constant 0 : index
        %swap3A_415 = tpu.vector_load %arg12[%swap3A_412, %swap3A_413, %swap3A_414] {strides = array<i32>} : memref<2x64x128xf32, #tpu.memory_space<vmem>>, vector<16xf32>,
        tpu.vector_store %arg12[%swap3A_412, %swap3A_413, %swap3A_414], %mul3A_410 {strides = array<i32>} : memref<2x64x128xf32, #tpu.memory_space<vmem>>, vector<16xf32>,
        %get3A_416 = arith.constant 1 : i32
        %get3A_417 = arith.index_cast %get3A_416 : i32 to index
        %get3A_418 = arith.index_cast %scan3A_396 : i32 to index
        %get3A_419 = arith.constant 16 : index
        %get3A_420 = tpu.vector_load %arg12[%get3A_417, %get3A_418, %get3A_419] {strides = array<i32>} : memref<2x64x128xf32, #tpu.memory_space<vmem>>, vector<16xf32>,
        %get3A_421 = arith.constant 1 : i32
        %get3A_422 = arith.index_cast %get3A_421 : i32 to index
        %get3A_423 = arith.index_cast %scan3A_396 : i32 to index
        %get3A_424 = arith.constant 16 : index
        %get3A_425 = tpu.vector_load %arg13[%get3A_422, %get3A_423, %get3A_424] {strides = array<i32>} : memref<2x64x128xf32, #tpu.memory_space<vmem>>, vector<16xf32>,
        %mul3A_426 = arith.mulf %get3A_420, %get3A_425 : vector<16xf32>
        %mul3A_427 = arith.mulf %mul3A_426, %gather3A_399 : vector<16xf32>
        %swap3A_428 = arith.constant 1 : i32
        %swap3A_429 = arith.index_cast %swap3A_428 : i32 to index
        %swap3A_430 = arith.index_cast %scan3A_396 : i32 to index
        %swap3A_431 = arith.constant 16 : index
        %swap3A_432 = tpu.vector_load %arg12[%swap3A_429, %swap3A_430, %swap3A_431] {strides = array<i32>} : memref<2x64x128xf32, #tpu.memory_space<vmem>>, vector<16xf32>,
        tpu.vector_store %arg12[%swap3A_429, %swap3A_430, %swap3A_431], %mul3A_427 {strides = array<i32>} : memref<2x64x128xf32, #tpu.memory_space<vmem>>, vector<16xf32>,
        %get3A_433 = arith.constant 1 : i32
        %get3A_434 = arith.index_cast %get3A_433 : i32 to index
        %get3A_435 = arith.index_cast %scan3A_396 : i32 to index
        %get3A_436 = arith.constant 32 : index
        %get3A_437 = tpu.vector_load %arg12[%get3A_434, %get3A_435, %get3A_436] {strides = array<i32>} : memref<2x64x128xf32, #tpu.memory_space<vmem>>, vector<16xf32>,
        %get3A_438 = arith.constant 1 : i32
        %get3A_439 = arith.index_cast %get3A_438 : i32 to index
        %get3A_440 = arith.index_cast %scan3A_396 : i32 to index
        %get3A_441 = arith.constant 32 : index
        %get3A_442 = tpu.vector_load %arg13[%get3A_439, %get3A_440, %get3A_441] {strides = array<i32>} : memref<2x64x128xf32, #tpu.memory_space<vmem>>, vector<16xf32>,
        %mul3A_443 = arith.mulf %get3A_437, %get3A_442 : vector<16xf32>
        %mul3A_444 = arith.mulf %mul3A_443, %gather3A_399 : vector<16xf32>
        %swap3A_445 = arith.constant 1 : i32
        %swap3A_446 = arith.index_cast %swap3A_445 : i32 to index
        %swap3A_447 = arith.index_cast %scan3A_396 : i32 to index
        %swap3A_448 = arith.constant 32 : index
        %swap3A_449 = tpu.vector_load %arg12[%swap3A_446, %swap3A_447, %swap3A_448] {strides = array<i32>} : memref<2x64x128xf32, #tpu.memory_space<vmem>>, vector<16xf32>,
        tpu.vector_store %arg12[%swap3A_446, %swap3A_447, %swap3A_448], %mul3A_444 {strides = array<i32>} : memref<2x64x128xf32, #tpu.memory_space<vmem>>, vector<16xf32>,
        %get3A_450 = arith.constant 1 : i32
        %get3A_451 = arith.index_cast %get3A_450 : i32 to index
        %get3A_452 = arith.index_cast %scan3A_396 : i32 to index
        %get3A_453 = arith.constant 48 : index
        %get3A_454 = tpu.vector_load %arg12[%get3A_451, %get3A_452, %get3A_453] {strides = array<i32>} : memref<2x64x128xf32, #tpu.memory_space<vmem>>, vector<16xf32>,
        %get3A_455 = arith.constant 1 : i32
        %get3A_456 = arith.index_cast %get3A_455 : i32 to index
        %get3A_457 = arith.index_cast %scan3A_396 : i32 to index
        %get3A_458 = arith.constant 48 : index
        %get3A_459 = tpu.vector_load %arg13[%get3A_456, %get3A_457, %get3A_458] {strides = array<i32>} : memref<2x64x128xf32, #tpu.memory_space<vmem>>, vector<16xf32>,
        %mul3A_460 = arith.mulf %get3A_454, %get3A_459 : vector<16xf32>
        %mul3A_461 = arith.mulf %mul3A_460, %gather3A_399 : vector<16xf32>
        %swap3A_462 = arith.constant 1 : i32
        %swap3A_463 = arith.index_cast %swap3A_462 : i32 to index
        %swap3A_464 = arith.index_cast %scan3A_396 : i32 to index
        %swap3A_465 = arith.constant 48 : index
        %swap3A_466 = tpu.vector_load %arg12[%swap3A_463, %swap3A_464, %swap3A_465] {strides = array<i32>} : memref<2x64x128xf32, #tpu.memory_space<vmem>>, vector<16xf32>,
        tpu.vector_store %arg12[%swap3A_463, %swap3A_464, %swap3A_465], %mul3A_461 {strides = array<i32>} : memref<2x64x128xf32, #tpu.memory_space<vmem>>, vector<16xf32>,
        %get3A_467 = arith.constant 1 : i32
        %get3A_468 = arith.index_cast %get3A_467 : i32 to index
        %get3A_469 = arith.index_cast %scan3A_396 : i32 to index
        %get3A_470 = arith.constant 64 : index
        %get3A_471 = tpu.vector_load %arg12[%get3A_468, %get3A_469, %get3A_470] {strides = array<i32>} : memref<2x64x128xf32, #tpu.memory_space<vmem>>, vector<16xf32>,
        %get3A_472 = arith.constant 1 : i32
        %get3A_473 = arith.index_cast %get3A_472 : i32 to index
        %get3A_474 = arith.index_cast %scan3A_396 : i32 to index
        %get3A_475 = arith.constant 64 : index
        %get3A_476 = tpu.vector_load %arg13[%get3A_473, %get3A_474, %get3A_475] {strides = array<i32>} : memref<2x64x128xf32, #tpu.memory_space<vmem>>, vector<16xf32>,
        %mul3A_477 = arith.mulf %get3A_471, %get3A_476 : vector<16xf32>
        %mul3A_478 = arith.mulf %mul3A_477, %gather3A_399 : vector<16xf32>
        %swap3A_479 = arith.constant 1 : i32
        %swap3A_480 = arith.index_cast %swap3A_479 : i32 to index
        %swap3A_481 = arith.index_cast %scan3A_396 : i32 to index
        %swap3A_482 = arith.constant 64 : index
        %swap3A_483 = tpu.vector_load %arg12[%swap3A_480, %swap3A_481, %swap3A_482] {strides = array<i32>} : memref<2x64x128xf32, #tpu.memory_space<vmem>>, vector<16xf32>,
        tpu.vector_store %arg12[%swap3A_480, %swap3A_481, %swap3A_482], %mul3A_478 {strides = array<i32>} : memref<2x64x128xf32, #tpu.memory_space<vmem>>, vector<16xf32>,
        %get3A_484 = arith.constant 1 : i32
        %get3A_485 = arith.index_cast %get3A_484 : i32 to index
        %get3A_486 = arith.index_cast %scan3A_396 : i32 to index
        %get3A_487 = arith.constant 80 : index
        %get3A_488 = tpu.vector_load %arg12[%get3A_485, %get3A_486, %get3A_487] {strides = array<i32>} : memref<2x64x128xf32, #tpu.memory_space<vmem>>, vector<16xf32>,
        %get3A_489 = arith.constant 1 : i32
        %get3A_490 = arith.index_cast %get3A_489 : i32 to index
        %get3A_491 = arith.index_cast %scan3A_396 : i32 to index
        %get3A_492 = arith.constant 80 : index
        %get3A_493 = tpu.vector_load %arg13[%get3A_490, %get3A_491, %get3A_492] {strides = array<i32>} : memref<2x64x128xf32, #tpu.memory_space<vmem>>, vector<16xf32>,
        %mul3A_494 = arith.mulf %get3A_488, %get3A_493 : vector<16xf32>
        %mul3A_495 = arith.mulf %mul3A_494, %gather3A_399 : vector<16xf32>
        %swap3A_496 = arith.constant 1 : i32
        %swap3A_497 = arith.index_cast %swap3A_496 : i32 to index
        %swap3A_498 = arith.index_cast %scan3A_396 : i32 to index
        %swap3A_499 = arith.constant 80 : index
        %swap3A_500 = tpu.vector_load %arg12[%swap3A_497, %swap3A_498, %swap3A_499] {strides = array<i32>} : memref<2x64x128xf32, #tpu.memory_space<vmem>>, vector<16xf32>,
        tpu.vector_store %arg12[%swap3A_497, %swap3A_498, %swap3A_499], %mul3A_495 {strides = array<i32>} : memref<2x64x128xf32, #tpu.memory_space<vmem>>, vector<16xf32>,
        %get3A_501 = arith.constant 1 : i32
        %get3A_502 = arith.index_cast %get3A_501 : i32 to index
        %get3A_503 = arith.index_cast %scan3A_396 : i32 to index
        %get3A_504 = arith.constant 96 : index
        %get3A_505 = tpu.vector_load %arg12[%get3A_502, %get3A_503, %get3A_504] {strides = array<i32>} : memref<2x64x128xf32, #tpu.memory_space<vmem>>, vector<16xf32>,
        %get3A_506 = arith.constant 1 : i32
        %get3A_507 = arith.index_cast %get3A_506 : i32 to index
        %get3A_508 = arith.index_cast %scan3A_396 : i32 to index
        %get3A_509 = arith.constant 96 : index
        %get3A_510 = tpu.vector_load %arg13[%get3A_507, %get3A_508, %get3A_509] {strides = array<i32>} : memref<2x64x128xf32, #tpu.memory_space<vmem>>, vector<16xf32>,
        %mul3A_511 = arith.mulf %get3A_505, %get3A_510 : vector<16xf32>
        %mul3A_512 = arith.mulf %mul3A_511, %gather3A_399 : vector<16xf32>
        %swap3A_513 = arith.constant 1 : i32
        %swap3A_514 = arith.index_cast %swap3A_513 : i32 to index
        %swap3A_515 = arith.index_cast %scan3A_396 : i32 to index
        %swap3A_516 = arith.constant 96 : index
        %swap3A_517 = tpu.vector_load %arg12[%swap3A_514, %swap3A_515, %swap3A_516] {strides = array<i32>} : memref<2x64x128xf32, #tpu.memory_space<vmem>>, vector<16xf32>,
        tpu.vector_store %arg12[%swap3A_514, %swap3A_515, %swap3A_516], %mul3A_512 {strides = array<i32>} : memref<2x64x128xf32, #tpu.memory_space<vmem>>, vector<16xf32>,
        %get3A_518 = arith.constant 1 : i32
        %get3A_519 = arith.index_cast %get3A_518 : i32 to index
        %get3A_520 = arith.index_cast %scan3A_396 : i32 to index
        %get3A_521 = arith.constant 112 : index
        %get3A_522 = tpu.vector_load %arg12[%get3A_519, %get3A_520, %get3A_521] {strides = array<i32>} : memref<2x64x128xf32, #tpu.memory_space<vmem>>, vector<16xf32>,
        %get3A_523 = arith.constant 1 : i32
        %get3A_524 = arith.index_cast %get3A_523 : i32 to index
        %get3A_525 = arith.index_cast %scan3A_396 : i32 to index
        %get3A_526 = arith.constant 112 : index
        %get3A_527 = tpu.vector_load %arg13[%get3A_524, %get3A_525, %get3A_526] {strides = array<i32>} : memref<2x64x128xf32, #tpu.memory_space<vmem>>, vector<16xf32>,
        %mul3A_528 = arith.mulf %get3A_522, %get3A_527 : vector<16xf32>
        %mul3A_529 = arith.mulf %mul3A_528, %gather3A_399 : vector<16xf32>
        %swap3A_530 = arith.constant 1 : i32
        %swap3A_531 = arith.index_cast %swap3A_530 : i32 to index
        %swap3A_532 = arith.index_cast %scan3A_396 : i32 to index
        %swap3A_533 = arith.constant 112 : index
        %swap3A_534 = tpu.vector_load %arg12[%swap3A_531, %swap3A_532, %swap3A_533] {strides = array<i32>} : memref<2x64x128xf32, #tpu.memory_space<vmem>>, vector<16xf32>,
        tpu.vector_store %arg12[%swap3A_531, %swap3A_532, %swap3A_533], %mul3A_529 {strides = array<i32>} : memref<2x64x128xf32, #tpu.memory_space<vmem>>, vector<16xf32>,
        %scan3A_535 = arith.constant 0 : i32
        scf.yield %scan3A_535 : i32
      }
      %scan3A_381 = arith.constant 64 : i32
      %mul3A_382 = arith.constant 640 : i32
      %mul3A_383 = arith.muli %arg1, %mul3A_382 : i32
      %run_scoped3A_384 = arith.constant 1 : i32
      "tpu.region"() ({
        %run_scoped3A_396 = tpu.sem_alloc : memref<!tpu.dma_semaphore, #tpu.memory_space<semaphore_mem>>
        %dma_start3A_397 = arith.constant 0 : i32
        %dma_start3A_398 = arith.constant 0 : i32
        %dma_start3A_399 = tpu.memref_slice %arg12[%run_scoped3A_384, %dma_start3A_397, %dma_start3A_398] : memref<2x64x128xf32, #tpu.memory_space<vmem>> -> memref<1x64x128xf32, #tpu.memory_space<vmem>>
        %dma_start3A_400 = tpu.memref_squeeze %dma_start3A_399 : memref<1x64x128xf32, #tpu.memory_space<vmem>> -> memref<64x128xf32, #tpu.memory_space<vmem>>
        %dma_start3A_401 = arith.constant 0 : i32
        %dma_start3A_402 = tpu.memref_slice %arg10[%mul3A_383, %dma_start3A_401] : memref<10240x128xf32, #tpu.memory_space<vmem_shared>> -> memref<64x128xf32, #tpu.memory_space<vmem_shared>>
        %dma_start3A_403 = arith.constant 0 : i32
        %dma_start3A_404 = tpu.memref_slice %arg10[%mul3A_383, %dma_start3A_403] : memref<10240x128xf32, #tpu.memory_space<vmem_shared>> -> memref<64x128xf32, #tpu.memory_space<vmem_shared>>
        %dma_start3A_405 = arith.constant 0 : i32
        %dma_start3A_406 = arith.constant 0 : i32
        %dma_start3A_407 = tpu.memref_slice %arg12[%run_scoped3A_384, %dma_start3A_405, %dma_start3A_406] : memref<2x64x128xf32, #tpu.memory_space<vmem>> -> memref<1x64x128xf32, #tpu.memory_space<vmem>>
        %dma_start3A_408 = tpu.memref_squeeze %dma_start3A_407 : memref<1x64x128xf32, #tpu.memory_space<vmem>> -> memref<64x128xf32, #tpu.memory_space<vmem>>
        tpu.enqueue_dma source(%dma_start3A_408 : memref<64x128xf32, #tpu.memory_space<vmem>>) target(%dma_start3A_404 : memref<64x128xf32, #tpu.memory_space<vmem_shared>>) target_semaphore(%run_scoped3A_396 : memref<!tpu.dma_semaphore, #tpu.memory_space<semaphore_mem>>)
        %dma_wait3A_409 = arith.constant 0 : i32
        %dma_wait3A_410 = arith.constant 0 : i32
        %dma_wait3A_411 = tpu.memref_slice %arg12[%run_scoped3A_384, %dma_wait3A_409, %dma_wait3A_410] : memref<2x64x128xf32, #tpu.memory_space<vmem>> -> memref<1x64x128xf32, #tpu.memory_space<vmem>>
        %dma_wait3A_412 = tpu.memref_squeeze %dma_wait3A_411 : memref<1x64x128xf32, #tpu.memory_space<vmem>> -> memref<64x128xf32, #tpu.memory_space<vmem>>
        %dma_wait3A_413 = arith.constant 0 : i32
        %dma_wait3A_414 = tpu.memref_slice %arg10[%mul3A_383, %dma_wait3A_413] : memref<10240x128xf32, #tpu.memory_space<vmem_shared>> -> memref<64x128xf32, #tpu.memory_space<vmem_shared>>
        %dma_wait3A_415 = arith.constant 0 : i32
        %dma_wait3A_416 = tpu.memref_slice %arg10[%mul3A_383, %dma_wait3A_415] : memref<10240x128xf32, #tpu.memory_space<vmem_shared>> -> memref<64x128xf32, #tpu.memory_space<vmem_shared>>
        %dma_wait3A_417 = arith.constant 0 : i32
        %dma_wait3A_418 = arith.constant 0 : i32
        %dma_wait3A_419 = tpu.memref_slice %arg12[%run_scoped3A_384, %dma_wait3A_417, %dma_wait3A_418] : memref<2x64x128xf32, #tpu.memory_space<vmem>> -> memref<1x64x128xf32, #tpu.memory_space<vmem>>
        %dma_wait3A_420 = tpu.memref_squeeze %dma_wait3A_419 : memref<1x64x128xf32, #tpu.memory_space<vmem>> -> memref<64x128xf32, #tpu.memory_space<vmem>>
        tpu.wait_dma2 semaphore(%run_scoped3A_396 : memref<!tpu.dma_semaphore, #tpu.memory_space<semaphore_mem>>) src(%dma_wait3A_420 : memref<64x128xf32, #tpu.memory_space<vmem>>) dst(%dma_wait3A_416 : memref<64x128xf32, #tpu.memory_space<vmem_shared>>)
        tpu.yield
      }) : () -> ()
      %lt3A_385 = arith.constant 159 : i32
      %lt3A_386 = arith.cmpi slt, %add3A_265, %lt3A_385 : i32
      %convert_element_type3A_387 = arith.extui %lt3A_386 : i1 to i32
      %cond3A_388 = arith.constant 0 : i32
      %cond3A_389 = arith.cmpi ne, %convert_element_type3A_387, %cond3A_388 : i32
      scf.if %cond3A_389 {
        %dma_start3A_396 = arith.constant 0 : i32
        %dma_start3A_397 = arith.constant 0 : i32
        %dma_start3A_398 = arith.constant 0 : i32
        %dma_start3A_399 = arith.constant 0 : i32
        %dma_start3A_400 = arith.constant 0 : i32
        %dma_start3A_401 = tpu.memref_slice %arg12[%dma_start3A_398, %dma_start3A_399, %dma_start3A_400] : memref<2x64x128xf32, #tpu.memory_space<vmem>> -> memref<1x64x128xf32, #tpu.memory_space<vmem>>
        %dma_start3A_402 = tpu.memref_squeeze %dma_start3A_401 : memref<1x64x128xf32, #tpu.memory_space<vmem>> -> memref<64x128xf32, #tpu.memory_space<vmem>>
        %dma_start3A_403 = arith.constant 0 : i32
        %dma_start3A_404 = tpu.memref_slice %arg11[%dma_start3A_396, %dma_start3A_397, %dma_start3A_403] : memref<2x4x64xi32, #tpu.memory_space<vmem>> -> memref<1x1x64xi32, #tpu.memory_space<vmem>>
        %dma_start3A_405 = tpu.memref_squeeze %dma_start3A_404 : memref<1x1x64xi32, #tpu.memory_space<vmem>> -> memref<64xi32, #tpu.memory_space<vmem>>
        %dma_start3A_406 = arith.constant 0 : i32
        %dma_start3A_407 = arith.constant 0 : i32
        %dma_start3A_408 = tpu.memref_slice %arg2[%dma_start3A_406, %dma_start3A_407] : memref<10000x128xf32, #tpu.memory_space<hbm>> -> memref<10000x128xf32, #tpu.memory_space<hbm>>
        tpu.enqueue_indirect_dma source(%dma_start3A_408 : memref<10000x128xf32, #tpu.memory_space<hbm>>) target(%dma_start3A_402 : memref<64x128xf32, #tpu.memory_space<vmem>>) offsets(%dma_start3A_405 : memref<64xi32, #tpu.memory_space<vmem>>) semaphore(%arg21 : memref<!tpu.dma_semaphore, #tpu.memory_space<semaphore_mem>>)
        %dma_start3A_409 = arith.constant 0 : i32
        %dma_start3A_410 = arith.constant 1 : i32
        %dma_start3A_411 = arith.constant 0 : i32
        %dma_start3A_412 = arith.constant 0 : i32
        %dma_start3A_413 = arith.constant 0 : i32
        %dma_start3A_414 = tpu.memref_slice %arg13[%dma_start3A_411, %dma_start3A_412, %dma_start3A_413] : memref<2x64x128xf32, #tpu.memory_space<vmem>> -> memref<1x64x128xf32, #tpu.memory_space<vmem>>
        %dma_start3A_415 = tpu.memref_squeeze %dma_start3A_414 : memref<1x64x128xf32, #tpu.memory_space<vmem>> -> memref<64x128xf32, #tpu.memory_space<vmem>>
        %dma_start3A_416 = arith.constant 0 : i32
        %dma_start3A_417 = tpu.memref_slice %arg11[%dma_start3A_409, %dma_start3A_410, %dma_start3A_416] : memref<2x4x64xi32, #tpu.memory_space<vmem>> -> memref<1x1x64xi32, #tpu.memory_space<vmem>>
        %dma_start3A_418 = tpu.memref_squeeze %dma_start3A_417 : memref<1x1x64xi32, #tpu.memory_space<vmem>> -> memref<64xi32, #tpu.memory_space<vmem>>
        %dma_start3A_419 = arith.constant 0 : i32
        %dma_start3A_420 = arith.constant 0 : i32
        %dma_start3A_421 = tpu.memref_slice %arg4[%dma_start3A_419, %dma_start3A_420] : memref<475x128xf32, #tpu.memory_space<hbm>> -> memref<475x128xf32, #tpu.memory_space<hbm>>
        tpu.enqueue_indirect_dma source(%dma_start3A_421 : memref<475x128xf32, #tpu.memory_space<hbm>>) target(%dma_start3A_415 : memref<64x128xf32, #tpu.memory_space<vmem>>) offsets(%dma_start3A_418 : memref<64xi32, #tpu.memory_space<vmem>>) semaphore(%arg23 : memref<!tpu.dma_semaphore, #tpu.memory_space<semaphore_mem>>)
      } else {
      }
      %lt3A_390 = arith.constant 158 : i32
      %lt3A_391 = arith.cmpi slt, %add3A_265, %lt3A_390 : i32
      %convert_element_type3A_392 = arith.extui %lt3A_391 : i1 to i32
      %cond3A_393 = arith.constant 0 : i32
      %cond3A_394 = arith.cmpi ne, %convert_element_type3A_392, %cond3A_393 : i32
      scf.if %cond3A_394 {
        %add3A_396 = arith.constant 2 : i32
        %add3A_397 = arith.addi %add3A_265, %add3A_396 : i32
        %add3A_398 = arith.addi %mul3A_16, %add3A_397 : i32
        %dma_start3A_399 = arith.constant 1 : i32
        %dma_start3A_400 = arith.constant 0 : i32
        %dma_start3A_401 = arith.constant 0 : i32
        %dma_start3A_402 = tpu.memref_slice %arg11[%dma_start3A_399, %dma_start3A_400, %dma_start3A_401] : memref<2x4x64xi32, #tpu.memory_space<vmem>> -> memref<1x4x64xi32, #tpu.memory_space<vmem>>
        %dma_start3A_403 = tpu.memref_squeeze %dma_start3A_402 : memref<1x4x64xi32, #tpu.memory_space<vmem>> -> memref<4x64xi32, #tpu.memory_space<vmem>>
        %dma_start3A_404 = arith.constant 0 : i32
        %dma_start3A_405 = arith.constant 0 : i32
        %dma_start3A_406 = tpu.memref_slice %arg7[%add3A_398, %dma_start3A_404, %dma_start3A_405] : memref<5120x4x64xi32, #tpu.memory_space<hbm>> -> memref<1x4x64xi32, #tpu.memory_space<hbm>>
        %dma_start3A_407 = tpu.memref_squeeze %dma_start3A_406 : memref<1x4x64xi32, #tpu.memory_space<hbm>> -> memref<4x64xi32, #tpu.memory_space<hbm>>
        %dma_start3A_408 = arith.constant 0 : i32
        %dma_start3A_409 = arith.constant 0 : i32
        %dma_start3A_410 = tpu.memref_slice %arg11[%dma_start3A_399, %dma_start3A_408, %dma_start3A_409] : memref<2x4x64xi32, #tpu.memory_space<vmem>> -> memref<1x4x64xi32, #tpu.memory_space<vmem>>
        %dma_start3A_411 = tpu.memref_squeeze %dma_start3A_410 : memref<1x4x64xi32, #tpu.memory_space<vmem>> -> memref<4x64xi32, #tpu.memory_space<vmem>>
        %dma_start3A_412 = arith.constant 0 : i32
        %dma_start3A_413 = arith.constant 0 : i32
        %dma_start3A_414 = tpu.memref_slice %arg7[%add3A_398, %dma_start3A_412, %dma_start3A_413] : memref<5120x4x64xi32, #tpu.memory_space<hbm>> -> memref<1x4x64xi32, #tpu.memory_space<hbm>>
        %dma_start3A_415 = tpu.memref_squeeze %dma_start3A_414 : memref<1x4x64xi32, #tpu.memory_space<hbm>> -> memref<4x64xi32, #tpu.memory_space<hbm>>
        tpu.enqueue_dma source(%dma_start3A_415 : memref<4x64xi32, #tpu.memory_space<hbm>>) target(%dma_start3A_411 : memref<4x64xi32, #tpu.memory_space<vmem>>) target_semaphore(%arg20 : memref<!tpu.dma_semaphore, #tpu.memory_space<semaphore_mem>>)
      } else {
      }
      %scan3A_395 = arith.constant 0 : i32
      scf.yield %scan3A_395 : i32
    }
    %scan3A_128 = arith.constant 80 : i32
    %barrier3A_129 = arith.constant 0 : index
    tpu.barrier barrier_id(%barrier3A_129)
    %scan3A_130 = arith.constant 0 : i32
    %scan3A_131 = arith.constant 0 : i32
    %scan3A_132 = arith.constant 10 : i32
    %scan3A_133 = arith.addi %scan3A_131, %scan3A_132 : i32
    %scan3A_134 = arith.constant 1 : i32
    %scan3A_135 = scf.for %scan3A_137 = %scan3A_131 to %scan3A_133 step %scan3A_134 iter_args(%scan3A_138 = %scan3A_130) -> (i32)  : i32 {
      %mul3A_139 = arith.constant 640 : i32
      %mul3A_140 = arith.muli %arg1, %mul3A_139 : i32
      %mul3A_141 = arith.constant 64 : i32
      %mul3A_142 = arith.muli %scan3A_137, %mul3A_141 : i32
      %add3A_143 = arith.addi %mul3A_140, %mul3A_142 : i32
      "tpu.region"() ({
        %run_scoped3A = tpu.sem_alloc : memref<!tpu.dma_semaphore, #tpu.memory_space<semaphore_mem>>
        %dma_start3A_145 = arith.constant 0 : i32
        %dma_start3A_146 = tpu.memref_slice %arg9[%arg0, %add3A_143, %dma_start3A_145] : memref<2x10240x128xf32, #tpu.memory_space<hbm>> -> memref<1x64x128xf32, #tpu.memory_space<hbm>>
        %dma_start3A_147 = tpu.memref_squeeze %dma_start3A_146 : memref<1x64x128xf32, #tpu.memory_space<hbm>> -> memref<64x128xf32, #tpu.memory_space<hbm>>
        %dma_start3A_148 = arith.constant 0 : i32
        %dma_start3A_149 = tpu.memref_slice %arg10[%add3A_143, %dma_start3A_148] : memref<10240x128xf32, #tpu.memory_space<vmem_shared>> -> memref<64x128xf32, #tpu.memory_space<vmem_shared>>
        tpu.enqueue_dma source(%dma_start3A_149 : memref<64x128xf32, #tpu.memory_space<vmem_shared>>) target(%dma_start3A_147 : memref<64x128xf32, #tpu.memory_space<hbm>>) target_semaphore(%run_scoped3A : memref<!tpu.dma_semaphore, #tpu.memory_space<semaphore_mem>>)
        %dma_wait3A_150 = arith.constant 0 : i32
        %dma_wait3A_151 = tpu.memref_slice %arg9[%arg0, %add3A_143, %dma_wait3A_150] : memref<2x10240x128xf32, #tpu.memory_space<hbm>> -> memref<1x64x128xf32, #tpu.memory_space<hbm>>
        %dma_wait3A_152 = tpu.memref_squeeze %dma_wait3A_151 : memref<1x64x128xf32, #tpu.memory_space<hbm>> -> memref<64x128xf32, #tpu.memory_space<hbm>>
        %dma_wait3A_153 = arith.constant 0 : i32
        %dma_wait3A_154 = tpu.memref_slice %arg10[%add3A_143, %dma_wait3A_153] : memref<10240x128xf32, #tpu.memory_space<vmem_shared>> -> memref<64x128xf32, #tpu.memory_space<vmem_shared>>
        tpu.wait_dma2 semaphore(%run_scoped3A : memref<!tpu.dma_semaphore, #tpu.memory_space<semaphore_mem>>) src(%dma_wait3A_154 : memref<64x128xf32, #tpu.memory_space<vmem_shared>>) dst(%dma_wait3A_152 : memref<64x128xf32, #tpu.memory_space<hbm>>)
        tpu.yield
      }) : () -> ()
      %scan3A_144 = arith.constant 0 : i32
      scf.yield %scan3A_144 : i32
    }
    %scan3A_136 = arith.constant 10 : i32
    return
  }
}

module attributes {stable_mosaic.version = 14 : i64} {
  func.func @body(%arg0: memref<10000x128xf32, #tpu.memory_space<vmem>>, %arg1: memref<200x128xf32, #tpu.memory_space<vmem>>, %arg2: memref<64x128xf32, #tpu.memory_space<vmem>>, %arg3: memref<64x128xf32, #tpu.memory_space<vmem>>, %arg4: memref<64x128xf32, #tpu.memory_space<vmem>>, %arg5: memref<1x64xf32, #tpu.memory_space<vmem>>, %arg6: memref<10000x64xf32, #tpu.memory_space<vmem>>, %arg7: memref<200x64xf32, #tpu.memory_space<vmem>>, %arg8: memref<200x64xf32, #tpu.memory_space<vmem>>) attributes {dimension_semantics = [], scalar_prefetch = 0 : i64, scratch_operands = 0 : i64, tpu.core_type = #tpu.core_type<tc>} {
    %get3A = arith.constant 0 : index
    %get3A_0 = arith.constant 0 : index
    %get3A_1 = vector.load %arg0[%get3A, %get3A_0] : memref<10000x128xf32, #tpu.memory_space<vmem>>, vector<10000x128xf32>
    %get3A_2 = arith.constant 0 : index
    %get3A_3 = arith.constant 0 : index
    %get3A_4 = vector.load %arg2[%get3A_2, %get3A_3] : memref<64x128xf32, #tpu.memory_space<vmem>>, vector<64x128xf32>
    %dot_general3A = arith.constant dense<0.000000e+00> : vector<10000x64xf32>
    %dot_general3A_5 = tpu.matmul %get3A_1, %get3A_4, %dot_general3A {dimension_numbers = #tpu.dot_dimension_numbers<[1], [1], [0], [0], [0, 0, 1, 0], [], []>, transpose_lhs_hint = false} : vector<10000x128xf32>, vector<64x128xf32>, vector<10000x64xf32> -> vector<10000x64xf32>
    %swap3A = arith.constant 0 : index
    %swap3A_6 = arith.constant 0 : index
    %swap3A_7 = vector.load %arg6[%swap3A, %swap3A_6] : memref<10000x64xf32, #tpu.memory_space<vmem>>, vector<10000x64xf32>
    tpu.vector_store %arg6[%swap3A, %swap3A_6], %dot_general3A_5 {strides = array<i32>} : memref<10000x64xf32, #tpu.memory_space<vmem>>, vector<10000x64xf32>,
    %get3A_8 = arith.constant 0 : index
    %get3A_9 = arith.constant 0 : index
    %get3A_10 = vector.load %arg1[%get3A_8, %get3A_9] : memref<200x128xf32, #tpu.memory_space<vmem>>, vector<200x128xf32>
    %get3A_11 = arith.constant 0 : index
    %get3A_12 = arith.constant 0 : index
    %get3A_13 = vector.load %arg3[%get3A_11, %get3A_12] : memref<64x128xf32, #tpu.memory_space<vmem>>, vector<64x128xf32>
    %dot_general3A_14 = arith.constant dense<0.000000e+00> : vector<200x64xf32>
    %dot_general3A_15 = tpu.matmul %get3A_10, %get3A_13, %dot_general3A_14 {dimension_numbers = #tpu.dot_dimension_numbers<[1], [1], [0], [0], [0, 0, 1, 0], [], []>, transpose_lhs_hint = false} : vector<200x128xf32>, vector<64x128xf32>, vector<200x64xf32> -> vector<200x64xf32>
    %swap3A_16 = arith.constant 0 : index
    %swap3A_17 = arith.constant 0 : index
    %swap3A_18 = vector.load %arg7[%swap3A_16, %swap3A_17] : memref<200x64xf32, #tpu.memory_space<vmem>>, vector<200x64xf32>
    tpu.vector_store %arg7[%swap3A_16, %swap3A_17], %dot_general3A_15 {strides = array<i32>} : memref<200x64xf32, #tpu.memory_space<vmem>>, vector<200x64xf32>,
    %get3A_19 = arith.constant 0 : index
    %get3A_20 = arith.constant 0 : index
    %get3A_21 = vector.load %arg1[%get3A_19, %get3A_20] : memref<200x128xf32, #tpu.memory_space<vmem>>, vector<200x128xf32>
    %get3A_22 = arith.constant 0 : index
    %get3A_23 = arith.constant 0 : index
    %get3A_24 = vector.load %arg4[%get3A_22, %get3A_23] : memref<64x128xf32, #tpu.memory_space<vmem>>, vector<64x128xf32>
    %dot_general3A_25 = arith.constant dense<0.000000e+00> : vector<200x64xf32>
    %dot_general3A_26 = tpu.matmul %get3A_21, %get3A_24, %dot_general3A_25 {dimension_numbers = #tpu.dot_dimension_numbers<[1], [1], [0], [0], [0, 0, 1, 0], [], []>, transpose_lhs_hint = false} : vector<200x128xf32>, vector<64x128xf32>, vector<200x64xf32> -> vector<200x64xf32>
    %get3A_27 = arith.constant 0 : index
    %get3A_28 = arith.constant 0 : index
    %get3A_29 = vector.load %arg5[%get3A_27, %get3A_28] : memref<1x64xf32, #tpu.memory_space<vmem>>, vector<1x64xf32>
    %add3A = vector.broadcast %get3A_29 : vector<1x64xf32> to vector<200x64xf32>
    %add3A_30 = arith.addf %dot_general3A_26, %add3A : vector<200x64xf32>
    %swap3A_31 = arith.constant 0 : index
    %swap3A_32 = arith.constant 0 : index
    %swap3A_33 = vector.load %arg8[%swap3A_31, %swap3A_32] : memref<200x64xf32, #tpu.memory_space<vmem>>, vector<200x64xf32>
    tpu.vector_store %arg8[%swap3A_31, %swap3A_32], %add3A_30 {strides = array<i32>} : memref<200x64xf32, #tpu.memory_space<vmem>>, vector<200x64xf32>,
    return
  }
}

module attributes {stable_mosaic.version = 14 : i64} {
  func.func @body(%arg0: memref<10000x128xf32, #tpu.memory_space<vmem>>, %arg1: memref<10000x128xf32, #tpu.memory_space<vmem>>, %arg2: memref<128x128xf32, #tpu.memory_space<vmem>>, %arg3: memref<10000x128xf32, #tpu.memory_space<vmem>>) attributes {dimension_semantics = [], scalar_prefetch = 0 : i64, scratch_operands = 0 : i64, tpu.core_type = #tpu.core_type<tc>} {
    %get3A = arith.constant 0 : index
    %get3A_0 = arith.constant 0 : index
    %get3A_1 = vector.load %arg0[%get3A, %get3A_0] : memref<10000x128xf32, #tpu.memory_space<vmem>>, vector<10000x128xf32>
    %get3A_2 = arith.constant 0 : index
    %get3A_3 = arith.constant 0 : index
    %get3A_4 = vector.load %arg1[%get3A_2, %get3A_3] : memref<10000x128xf32, #tpu.memory_space<vmem>>, vector<10000x128xf32>
    %add3A = arith.addf %get3A_1, %get3A_4 : vector<10000x128xf32>
    %get3A_5 = arith.constant 0 : index
    %get3A_6 = arith.constant 0 : index
    %get3A_7 = vector.load %arg2[%get3A_5, %get3A_6] : memref<128x128xf32, #tpu.memory_space<vmem>>, vector<128x128xf32>
    %dot_general3A = arith.constant dense<0.000000e+00> : vector<10000x128xf32>
    %dot_general3A_8 = tpu.matmul %add3A, %get3A_7, %dot_general3A {dimension_numbers = #tpu.dot_dimension_numbers<[1], [1], [0], [0], [0, 0, 1, 0], [], []>, transpose_lhs_hint = false} : vector<10000x128xf32>, vector<128x128xf32>, vector<10000x128xf32> -> vector<10000x128xf32>
    %swap3A = arith.constant 0 : index
    %swap3A_9 = arith.constant 0 : index
    %swap3A_10 = vector.load %arg3[%swap3A, %swap3A_9] : memref<10000x128xf32, #tpu.memory_space<vmem>>, vector<10000x128xf32>
    tpu.vector_store %arg3[%swap3A, %swap3A_9], %dot_general3A_8 {strides = array<i32>} : memref<10000x128xf32, #tpu.memory_space<vmem>>, vector<10000x128xf32>,
    return
  }
}

</mosaic_0001>

<sc_bundles>
// kernel: kernel.5.cloned.1.call-start
scs
__scs_entry_jumppad:
0x0: {  	(pc) =	sbr.rel $0x88, $3  }
0x1: {  	(tag) =	ssettag $0x0;
	lr =	simm.s32 $0x1  }
0x2: {  	[smem:$0x3F94] =	sst lr;
	_ =	strace $0xD0000000  }
0x3: {  	_ = 	snop  }
0x4: {  	_ = 	snop  }
0x5: {  	_ = 	snop  }
0x6: {  	_ = 	snop  }
0x7: {  	_ = 	snop  }
__scs_overlays_trampoline_lowered:
0x8: {  	[smem:$0x3FA3] =	sst s0  }
0x9: {  	[smem:$0x3FA4] =	sst s1  }
0xa: {  	[smem:$0x3FA5] =	sst s2  }
0xb: {  	[smem:$0x3FA6] =	sst s3  }
0xc: {  	[smem:$0x3FA7] =	sst s4  }
0xd: {  	[smem:$0x3FA8] =	sst s5  }
0xe: {  	[smem:$0x3FA9] =	sst s6  }
0xf: {  	[smem:$0x3FAA] =	sst s7  }
0x10: {  	[smem:$0x3FAB] =	sst s8  }
0x11: {  	[smem:$0x3FAC] =	sst s9;
	s0 =	simm.s32 @!p0 $0x0  }
0x12: {  	s1 =	sld [smem:$0x3F92];
	s0 =	simm.s32 @p0 $0x1  }
0x13: {  	[smem:$0x3FAD] =	sst s0;
	s0 =	simm.s32 @!p1 $0x0  }
0x14: {  	s2 =	sld [smem:$0x3F91];
	s0 =	simm.s32 @p1 $0x1  }
0x15: {  	[smem:$0x3FAE] =	sst s0;
	s0 =	simm.s32 @!p2 $0x0  }
0x16: {  	s3 =	sld [smem:$0x3FDB];
	s0 =	simm.s32 @p2 $0x1  }
0x17: {  	s4 =	simm.s32 $0x1BF5;
	[smem:$0x3FB0] =	sst s0  }
0x18: {  	s0 =	sld [smem:$0x3F93];
	_ =	swait.ge [sflag:s4], $0x0  }
0x19: {  	s7 =	sld [smem:$0x3F94]  }
0x1a: {  	s8 =	sadd.s32 $0xFFFFE003, lr  }
0x1b: {  	s9 =	sadd.s32 $0xFFFFFEF7, lr;
	s5 =	simm.s32 $0xFFFFFFFF;
	p2 =	slt.u32 s8, $0xFFFFF086  }
0x1c: {  	p1 =	slt.u32 s9, $0xF7A;
	s5 =	simm.s32 @!p2 $0x0  }
0x1d: {  	s5 =	simm.s32 @p1 $0x1;
	p0 =	seq.s32 s7, s2  }
0x1e: {  	s7 =	smul.u32 @!p0 $0xF7A, s2;
	p2 =	seq.s32 @!p0 s5, $0x0  }
0x1f: {  	s9 =	smul.u32 $0xF7A, s1;
	s8 =	simm.s32 @!p0 $0x1BF5;
	p2 =	por !p2, p0  }
0x20: {  	[sflag:s8] =	ssyncset.s32 @!p0 $0xFFFFF086;
	s6 =	sadd.s32 @!p0 s3, s7;
	s7 =	simm.s32 @!p0 $0x108  }
0x21: {  	s3 =	sadd.s32 s3, s9;
	s6 =	sadd.s32 @!p0 $0x88, s6;
	s7 =	simm.s32 @p2 $0x1082  }
0x22: {  	[simem:s7], [sflag:s8] =	dma.local @!p0 [hbm:s6], $0xF7A  }
0x23: {  	s9 =	sor.u32 $0xD0000000, s2;
	s6 =	simm.s32 $0x108;
	_ =	swait.ge @!p0 [sflag:s8], $0x0  }
0x24: {  	s3 =	sadd.s32 $0x88, s3;
	s6 =	simm.s32 @!p1 $0x1082;
	[sflag:s4] =	ssyncset.s32 $0xFFFFF086  }
0x25: {  	[simem:s6], [sflag:s4] =	dma.local [hbm:s3], $0xF7A  }
0x26: {  	[smem:$0x3F94] =	sst s1;
	(tag) =	ssettag s2;
	_ =	strace s9  }
0x27: {  	s1 =	sld [smem:$0x3FA4]  }
0x28: {  	s2 =	sld [smem:$0x3FA5]  }
0x29: {  	s4 =	sld [smem:$0x3FA7]  }
0x2a: {  	p0 =	seq.s32 s5, $0x0;
	s5 =	sld [smem:$0x3FA8]  }
0x2b: {  	s6 =	sld [smem:$0x3FA9]  }
0x2c: {  	s7 =	sld [smem:$0x3FAA]  }
0x2d: {  	s3 =	simm.s32 $0x108;
	s8 =	sld [smem:$0x3FAB]  }
0x2e: {  	s3 =	simm.s32 @!p0 $0x1082;
	s9 =	sld [smem:$0x3FAC]  }
0x2f: {  	lr =	sadd.s32 s0, s3;
	s0 =	sld [smem:$0x3FA3]  }
0x30: {  	s3 =	sld [smem:$0x3FA6]  }
0x31: {  	[smem:$0x3FAF] =	sst s10  }
0x32: {  	s10 =	sld [smem:$0x3FAD];
	_ =	sdelay $0x3  }
0x33: {  	p0 =	seq.s32 s10, $0x1;
	s10 =	sld [smem:$0x3FAF];
	_ =	sdelay $0x3  }
0x34: {  	[smem:$0x3FAF] =	sst s10  }
0x35: {  	s10 =	sld [smem:$0x3FAE];
	_ =	sdelay $0x3  }
0x36: {  	p1 =	seq.s32 s10, $0x1;
	s10 =	sld [smem:$0x3FAF];
	_ =	sdelay $0x3  }
0x37: {  	[smem:$0x3FAF] =	sst s10  }
0x38: {  	s10 =	sld [smem:$0x3FB0]  }
0x39: {  	_ = 	snop;
	(pc) =	sbr.ind lr, $3  }
0x3a: {  	_ = 	snop  }
0x3b: {  	_ = 	snop  }
0x3c: {  	p2 =	seq.s32 s10, $0x1;
	s10 =	sld [smem:$0x3FAF]  }
0x3d: {  	_ =	shalt  }
0x3e: {  	_ =	shalt  }
0x3f: {  	_ =	shalt  }
0x40: {  	_ =	shalt  }
0x41: {  	_ =	shalt  }
0x42: {  	_ =	shalt  }
0x43: {  	_ =	shalt  }
0x44: {  	_ =	shalt  }
0x45: {  	_ =	shalt  }
0x46: {  	_ =	shalt  }
0x47: {  	_ =	shalt  }
0x48: {  	_ =	shalt  }
0x49: {  	_ =	shalt  }
0x4a: {  	_ =	shalt  }
0x4b: {  	_ =	shalt  }
0x4c: {  	_ =	shalt  }
0x4d: {  	_ =	shalt  }
0x4e: {  	_ =	shalt  }
0x4f: {  	_ =	shalt  }
0x50: {  	_ =	shalt  }
0x51: {  	_ =	shalt  }
0x52: {  	_ =	shalt  }
0x53: {  	_ =	shalt  }
0x54: {  	_ =	shalt  }
0x55: {  	_ =	shalt  }
0x56: {  	_ =	shalt  }
0x57: {  	_ =	shalt  }
0x58: {  	_ =	shalt  }
0x59: {  	_ =	shalt  }
0x5a: {  	_ =	shalt  }
0x5b: {  	_ =	shalt  }
0x5c: {  	_ =	shalt  }
0x5d: {  	_ =	shalt  }
0x5e: {  	_ =	shalt  }
0x5f: {  	_ =	shalt  }
0x60: {  	_ =	shalt  }
0x61: {  	_ =	shalt  }
0x62: {  	_ =	shalt  }
0x63: {  	_ =	shalt  }
0x64: {  	_ =	shalt  }
0x65: {  	_ =	shalt  }
0x66: {  	_ =	shalt  }
0x67: {  	_ =	shalt  }
0x68: {  	_ =	shalt  }
0x69: {  	_ =	shalt  }
0x6a: {  	_ =	shalt  }
0x6b: {  	_ =	shalt  }
0x6c: {  	_ =	shalt  }
0x6d: {  	_ =	shalt  }
0x6e: {  	_ =	shalt  }
0x6f: {  	_ =	shalt  }
0x70: {  	_ =	shalt  }
0x71: {  	_ =	shalt  }
0x72: {  	_ =	shalt  }
0x73: {  	_ =	shalt  }
0x74: {  	_ =	shalt  }
0x75: {  	_ =	shalt  }
0x76: {  	_ =	shalt  }
0x77: {  	_ =	shalt  }
0x78: {  	_ =	shalt  }
0x79: {  	_ =	shalt  }
0x7a: {  	_ =	shalt  }
0x7b: {  	_ =	shalt  }
0x7c: {  	_ =	shalt  }
0x7d: {  	_ =	shalt  }
0x7e: {  	_ =	shalt  }
0x7f: {  	_ =	shalt  }
0x80: {  	_ =	shalt  }
0x81: {  	_ =	shalt  }
0x82: {  	_ =	shalt  }
0x83: {  	_ =	shalt  }
0x84: {  	_ =	shalt  }
0x85: {  	_ =	shalt  }
0x86: {  	_ =	shalt  }
0x87: {  	_ =	shalt  }
.Lfunc_end0:
.L_simem_size_0:
called_computation_lowered:
.L_overlay_start_0:
0x88: {  	s2 =	sld [smem:$0x3FD9]  }
0x89: {  	s3 =	sld [smem:$0x3FFE];
	_ =	sdelay $0x1  }
0x8a: {  	s1 =	srdreg.scid  }
0x8b: {  	s0 =	sand.u32 $0x1, s1  }
0x8c: {  	s17 =	sshll.u32 s0, $0xA;
	s2 =	sadd.s32 s3, s2  }
0x8d: {  	s2 =	sadd.s32 s2, s17  }
0x8e: {  	[smem:$0x3FBB] =	sst s2  }
0x8f: {  	_ = 	snop  }
0x90: {  	s2 =	sld [smem:$0x3FC7]  }
0x91: {  	s18 =	sld [smem:$0x3FD0];
	(tm) =	ssettm $0x1  }
0x92: {  	s4 =	sld [smem:$0x3FFB];
	_ =	sdelay $0x3  }
0x93: {  	_ =	strace s4  }
0x94: {  	s4 =	sld [smem:$0x3FFC];
	_ =	sdelay $0x3  }
0x95: {  	_ =	strace s4  }
0x96: {  	s4 =	sld [smem:$0x3FFD];
	_ =	sdelay $0x3  }
0x97: {  	_ =	strace s4  }
0x98: {  	_ =	strace $0x8FFFFFFF  }
0x99: {  	s19 =	sld [smem:$0x3FDB];
	_ =	sdelay $0x1  }
0x9a: {  	s5 =	simm.s32 $_scs_section_size  }
0x9b: {  	s6 =	simm.s32 $_size__tile_overlayer_lowered;
	s7 =	simm.s32 $_tile_overlayer_lowered  }
0x9c: {  	s22 =	simm.s32 $0x1BFF;
	s21 =	sshll.u32 s7, $0x1;
	s4 =	sadd.s32 s5, s19  }
0x9d: {  	s8 =	simm.s32 $0x0;
	s20 =	sshll.u32 s6, $0x1;
	s6 =	sadd.s32 s21, s4  }
0x9e: {  	[timem:s8], [sflag:s22] =	dma.local [hbm:s6], s20  }
0x9f: {  	_ =	swait.ge [sflag:s22], s20  }
0xa0: {  	s5 =	ssub.s32 $0x0, s20;
	[sflag:s22] =	ssyncset.done $0x0  }
0xa1: {  	[sflag:s22] =	ssyncadd.s32 s5;
	_ =	sdelay $0x1  }
0xa2: {  	s23 =	simm.s32 $0x1B8B  }
0xa3: {  	_ =	swait.ge [sflag:s23], $0x1  }
0xa4: {  	[sflag:s23] =	ssyncset.done $0x0  }
0xa5: {  	s25 =	simm.s32 $0x1B8E;
	s24 =	sld [smem:$0x3FFE];
	[sflag:s23] =	ssyncadd.s32 $0xFFFFFFFF  }
0xa6: {  	s26 =	simm.s32 $execute0_lowered;
	[smem:$0x3FD2] =	sst s25  }
0xa7: {  	s6 =	sshll.u32 s26, $0x1;
	_ =	strace $0x80000046;
	[dreg:$0x1] =	wrdreg $0xFFFFFFFF  }
0xa8: {  	s28 =	simm.s32 $_size_execute0_lowered;
	s4 =	sadd.s32 s4, s6;
	[dreg:$0x0] =	wrdreg $0x0  }
0xa9: {  	s6 =	sshll.u32 s28, $0x1;
	[dreg:$0x2] =	wrdreg s4  }
0xaa: {  	[dreg:$0x3] =	wrdreg s6  }
0xab: {  	[dreg:$0x4] =	wrdreg $0xC0  }
0xac: {  	_ =	task [dreg:s8], $0x5FFFF  }
0xad: {  	[dreg:$0x1] =	wrdreg $0xFFFFFFFF  }
0xae: {  	[dreg:$0x0] =	wrdreg $0x60  }
0xaf: {  	[dreg:$0x2] =	wrdreg s2  }
0xb0: {  	[dreg:$0x3] =	wrdreg s18  }
0xb1: {  	[dreg:$0x4] =	wrdreg s24  }
0xb2: {  	[dreg:$0x5] =	wrdreg $0x0  }
0xb3: {  	[dreg:$0x6] =	wrdreg $0x9  }
0xb4: {  	_ =	task.clear_ibuf [dreg:s8], $0x7FFFF;
	_ =	strace $0x90000046  }
0xb5: {  	s29 =	simm.s32 $0x9;
	_ =	strace $0x80000048  }
0xb6: {  	_ =	swait.ge [sflag:s29], $0x1  }
0xb7: {  	[sflag:s29] =	ssyncadd.s32 $0xFFFFFFFF  }
0xb8: {  	_ =	strace $0x90000048  }
0xb9: {  	_ =	sfence  }
0xba: {  	s30 =	sld [smem:$0x0];
	_ =	sdelay $0x2  }
0xbb: {  	s31 =	sshll.u32 s1, $0xD;
	s1 =	sshrl.u32 s1, $0x2  }
0xbc: {  	s3 =	sand.u32 $0x4000, s31;
	s1 =	sadd.s32 s1, s30  }
0xbd: {  	s0 =	sor.u32 s3, s0;
	s1 =	sshll.u32 s1, $0x11  }
0xbe: {  	s0 =	sor.u32 s1, s0  }
0xbf: {  	s0 =	sadd.s32 $0x8F2B, s0  }
0xc0: {  	[sflag:s0] =	ssyncadd.remote.s32 $0x1  }
0xc1: {  	_ =	sfence.sel $0xFFFF  }
0xc2: {  	[dreg:$0x0] =	wrdreg $0xFFFFFFFF;
	(pc) =	sbr.abs _section_cstart, $3  }
0xc3: {  	[dreg:$0x1] =	wrdreg $0xFFFFFFFF  }
0xc4: {  	_ =	task.clear_ibuf [dreg:s8], $0x2FFFF;
	_ =	strace $0x9FFFFFFF  }
0xc5: {  	(tm) =	ssettm $0x7FFFFFFF  }
tec
execute0_lowered:
.L_overlay_start_1:
0x0: {  	(tag) =	ssettag $0x1  }
0x1: {  	s0 =	srdreg.scid  }
0x2: {  	s8 =	stileid.u32;
	s26 =	rddreg [dreg:$0x3]  }
0x3: {  	s28 =	simm.s32 $0x0;
	s2 =	sand.u32 $0x1, s0;
	s3 =	smul.u32 $0x50000, s8  }
0x4: {  	s0 =	rddreg [dreg:$0x2];
	s6 =	smul.u32 $0x14000, s8;
	s13 =	sshll.u32 s8, $0x1  }
0x5: {  	[smem:$0x7FF] =	sst s28;
	s1 =	ssub.s32 $0x2, s2;
	s4 =	smul.u32 $0x140000, s2  }
0x6: {  	s7 =	sadd.s32 $0x2E600, s0;
	s2 =	sor.u32 s2, s13;
	s5 =	sshrl.u32 s1, $0x1  }
0x7: {  	s3 =	sshrl.u32 s3, $0x2;
	s15 =	sor.u32 $0x2000, s6;
	s9 =	sadd.s32 $0x4000, s6  }
0x8: {  	s11 =	sadd.s32 $0x6000, s6;
	s19 =	sadd.s32 $0x8000, s6;
	s13 =	sadd.s32 $0xA000, s6  }
0x9: {  	s1 =	ssub.s32 s1, s5;
	s14 =	sadd.s32 s4, s6;
	s16 =	sadd.s32 s4, s15  }
0xa: {  	s10 =	sadd.s32 s4, s9;
	s18 =	sadd.s32 s4, s11;
	s20 =	sadd.s32 s4, s19  }
0xb: {  	s12 =	sadd.s32 s4, s13;
	s8 =	sadd.s32 s9, s26;
	s9 =	sadd.s32 s11, s26  }
0xc: {  	s11 =	sadd.s32 s19, s26;
	s13 =	sadd.s32 s13, s26;
	s5 =	sshrl.u32 s14, $0x3  }
0xd: {  	s19 =	sadd.s32 $0x1600, s0;
	s10 =	sshrl.u32 s10, $0x3;
	s5 =	sadd.s32 s7, s5  }
0xe: {  	s12 =	sshrl.u32 s12, $0x3;
	s17 =	sadd.s32 s7, s10;
	[dreg:$0x5] =	wrdreg s5  }
0xf: {  	s14 =	sadd.s32 $0xC000, s6;
	s21 =	sadd.s32 s7, s12;
	[dreg:$0x7] =	wrdreg s17  }
0x10: {  	s22 =	sadd.s32 s4, s14;
	s5 =	sshrl.u32 s16, $0x3;
	[dreg:$0xa] =	wrdreg s21  }
0x11: {  	s16 =	sadd.s32 $0xE000, s6;
	s17 =	sadd.s32 $0x10000, s6;
	s5 =	sadd.s32 s7, s5  }
0x12: {  	s23 =	sadd.s32 s4, s16;
	s24 =	sadd.s32 s4, s17;
	s21 =	sadd.s32 s16, s26  }
0x13: {  	s16 =	sadd.s32 $0x2C600, s0;
	[dreg:$0x6] =	wrdreg s5;
	s5 =	sshrl.u32 s18, $0x3  }
0x14: {  	s12 =	sshrl.u32 s24, $0x3;
	s18 =	sadd.s32 $0x12000, s6;
	s6 =	sadd.s32 s6, s26  }
0x15: {  	s24 =	smul.u32 $0xA0, s2;
	s5 =	sadd.s32 s7, s5;
	s25 =	sadd.s32 s7, s12  }
0x16: {  	s4 =	sadd.s32 s4, s18;
	[dreg:$0x8] =	wrdreg s5;
	s5 =	sshrl.u32 s20, $0x3  }
0x17: {  	[dreg:$0xd] =	wrdreg s25;
	s4 =	sshrl.u32 s4, $0x3;
	s5 =	sadd.s32 s7, s5  }
0x18: {  	s4 =	sadd.s32 s7, s4;
	[dreg:$0x9] =	wrdreg s5;
	s5 =	sshrl.u32 s22, $0x3  }
0x19: {  	s12 =	sadd.s32 s3, s26;
	[dreg:$0xe] =	wrdreg s4;
	s5 =	sadd.s32 s7, s5  }
0x1a: {  	s20 =	sadd.s32 s14, s26;
	[dreg:$0xb] =	wrdreg s5;
	s5 =	sshrl.u32 s23, $0x3  }
0x1b: {  	s5 =	sadd.s32 s7, s5;
	s7 =	sadd.s32 s15, s26;
	s15 =	rddreg [dreg:$0x1]  }
0x1c: {  	s23 =	sadd.s32 s17, s26;
	s17 =	sadd.s32 $0x2B600, s0;
	[dreg:$0xc] =	wrdreg s5  }
0x1d: {  	s5 =	sadd.s32 s18, s26;
	s18 =	sadd.s32 $0x29600, s0;
	s0 =	sadd.s32 $0x2E400, s0  }
0x1e: {  	s26 =	sor.u32 $0x3, s24;
	_ =	strace $0x80000047;
	[dreg:$0xf] =	wrdreg s0  }
0x1f: {  	s1 =	smax.u32 s1, $0x1;
	s2 =	smul.u32 $0x1400, s2;
	[dreg:$0x11] =	wrdreg s26  }
0x20: {  	s28 =	sshrl.u32 s6, $0x3;
	[dreg:$0x12] =	wrdreg s1  }
0x21: {  	s25 =	sadd.s32 s19, s2;
	s2 =	sshrl.u32 s7, $0x3;
	[dreg:$0x13] =	wrdreg s28  }
0x22: {  	s3 =	sshrl.u32 s8, $0x3;
	[dreg:$0x14] =	wrdreg s2  }
0x23: {  	s4 =	sshrl.u32 s9, $0x3;
	[dreg:$0x15] =	wrdreg s3  }
0x24: {  	s6 =	sshrl.u32 s11, $0x3;
	[dreg:$0x16] =	wrdreg s4  }
0x25: {  	s7 =	sshrl.u32 s13, $0x3;
	[dreg:$0x17] =	wrdreg s6  }
0x26: {  	s8 =	sshrl.u32 s20, $0x3;
	[dreg:$0x18] =	wrdreg s7  }
0x27: {  	s9 =	sshrl.u32 s21, $0x3;
	[dreg:$0x19] =	wrdreg s8  }
0x28: {  	s10 =	sshrl.u32 s23, $0x3;
	[dreg:$0x1a] =	wrdreg s9  }
0x29: {  	[dreg:$0x1b] =	wrdreg s10  }
0x2a: {  	s13 =	sadd.s32 $0x2000, s12;
	[dreg:$0x10] =	wrdreg s25  }
0x2b: {  	s14 =	sadd.s32 $0x4000, s12;
	[dreg:$0x1e] =	wrdreg s13  }
0x2c: {  	s31 =	simm.s32 $0x40;
	s20 =	sadd.s32 $0x6000, s12;
	[dreg:$0x1f] =	wrdreg s14  }
0x2d: {  	s30 =	simm.s32 $0x16200;
	s21 =	sadd.s32 $0x8000, s12;
	[smem:$0x7F7] =	sst s20  }
0x2e: {  	s29 =	simm.s32 $0x6;
	s23 =	sadd.s32 $0xA000, s12;
	[smem:$0x7F8] =	sst s21  }
0x2f: {  	s22 =	sor.u32 $0x2, s24;
	s24 =	sadd.s32 $0xC000, s12;
	[smem:$0x7F9] =	sst s23  }
0x30: {  	s11 =	sshrl.u32 s5, $0x3;
	s0 =	sadd.s32 $0x20, s25;
	[smem:$0x7FA] =	sst s24  }
0x31: {  	s25 =	sadd.s32 $0xE000, s12;
	s26 =	sadd.s32 $0x10000, s12;
	s28 =	sadd.s32 $0x12000, s12  }
0x32: {  	s13 =	simm.s32 $0x1C200;
	s1 =	simm.s32 $0x1D200;
	s2 =	simm.s32 $0x1E200  }
0x33: {  	s4 =	simm.s32 $0x14100;
	s5 =	simm.s32 $0x7;
	[dreg:$0x1c] =	wrdreg s11  }
0x34: {  	s6 =	simm.s32 $0x8;
	s7 =	simm.s32 $0x9;
	[dreg:$0x1d] =	wrdreg s0  }
0x35: {  	v0 =	vlaneseq.u32;
	s8 =	simm.s32 $0x2;
	s9 =	simm.s32 $0x14140;
	[smem:$0x7FB] =	sst s25  }
0x36: {  	v0 =	vmul.u32 $0x40, v0;
	s20 =	simm.s32 $0x3;
	s24 =	simm.s32 $0x5;
	[smem:$0x7FC] =	sst s26  }
0x37: {  	v1 =	vimm.f32 $0.0e+00;
	v2 =	vimm.s32 $0x40;
	s21 =	simm.s32 $0x1F200;
	s10 =	simm.s32 $0x0;
	[smem:$0x7FD] =	sst s28  }
0x38: {  	v3 =	vor.u32 $0x400, v0;
	v4 =	vor.u32 $0x800, v0;
	v5 =	vor.u32 $0xC00, v0;
	s25 =	simm.s32 $0x1F240;
	s26 =	simm.s32 $0xA;
	s0 =	simm.s32 $0x4  }
.LBB2_1:
0x39: {  	[smem:$0x7F6] =	sst s10  }
0x3a: {  	s3 =	simm.s32 $0x0;
	s28 =	rddreg [dreg:$0xf]  }
0x3b: {  	[tilespmem:s25], [sflag:$0xA] =	stream.linear.gather [hbm4b:s28+s3], $0x50, $0x38;
	[tilespmem:$0x1F290] =	vst v63  }
0x3c: {  	_ =	swait.ge [sflag:s26], $0x50  }
0x3d: {  	[sflag:s26] =	ssyncset.done $0x0  }
0x3e: {  	s10 =	simm.s32 $0x200;
	s3 =	simm.s32 $0x0;
	[sflag:s26] =	ssyncadd.s32 $0xFFFFFFB0  }
.LBB2_2:
0x3f: {  	p0 =	sne.s32 s10, $0x7E00;
	[tilespmem:s3+$0x14270] =	vst v1  }
0x40: {  	[tilespmem:s3+$0x14200] =	vst v1  }
0x41: {  	[tilespmem:s3+$0x14210] =	vst v1  }
.Ltmp0:
0x42: {  	[tilespmem:s3+$0x14220] =	vst v1;
	(pc) =	sbr.rel @p0 .LBB2_2-.Ltmp0, $4  }
0x43: {  	[tilespmem:s3+$0x14230] =	vst v1  }
0x44: {  	[tilespmem:s3+$0x14240] =	vst v1  }
0x45: {  	[tilespmem:s3+$0x14250] =	vst v1  }
0x46: {  	[tilespmem:s3+$0x14260] =	vst v1;
	s3 =	sshra.s32 s10, $0x2;
	s10 =	sadd.s32 $0x200, s10  }
0x47: {  	[tilespmem:s3+$0x14270] =	vst v1  }
0x48: {  	[tilespmem:s3+$0x14200] =	vst v1  }
0x49: {  	[tilespmem:s3+$0x14210] =	vst v1  }
0x4a: {  	[tilespmem:s3+$0x14220] =	vst v1  }
0x4b: {  	[tilespmem:s3+$0x14230] =	vst v1  }
0x4c: {  	[tilespmem:s3+$0x14240] =	vst v1  }
0x4d: {  	[tilespmem:s3+$0x14250] =	vst v1  }
0x4e: {  	[tilespmem:s3+$0x14260] =	vst v1;
	s10 =	simm.s32 $0x14200  }
0x4f: {  	[spmem:s12] =	stream.linear.scatter [tilespmem:s10], [sflag:$0xA], $0x2000, $0x38;
	[tilespmem:$0x1F290] =	vst v63  }
0x50: {  	_ =	swait.ge [sflag:s26], $0x2000  }
0x51: {  	[sflag:s26] =	ssyncset.done $0x0  }
0x52: {  	s23 =	rddreg [dreg:$0x1e];
	[sflag:s26] =	ssyncadd.s32 $0xFFFFE000  }
0x53: {  	[spmem:s23] =	stream.linear.scatter [tilespmem:s10], [sflag:$0xA], $0x2000, $0x38;
	[tilespmem:$0x1F290] =	vst v63  }
0x54: {  	_ =	swait.ge [sflag:s26], $0x2000  }
0x55: {  	[sflag:s26] =	ssyncset.done $0x0  }
0x56: {  	s28 =	rddreg [dreg:$0x1f];
	[sflag:s26] =	ssyncadd.s32 $0xFFFFE000  }
0x57: {  	[spmem:s28] =	stream.linear.scatter [tilespmem:s10], [sflag:$0xA], $0x2000, $0x38;
	[tilespmem:$0x1F290] =	vst v63  }
0x58: {  	_ =	swait.ge [sflag:s26], $0x2000  }
0x59: {  	s11 =	sld [smem:$0x7F7]  }
0x5a: {  	[sflag:s26] =	ssyncset.done $0x0  }
0x5b: {  	[sflag:s26] =	ssyncadd.s32 $0xFFFFE000  }
0x5c: {  	[spmem:s11] =	stream.linear.scatter [tilespmem:s10], [sflag:$0xA], $0x2000, $0x38;
	[tilespmem:$0x1F290] =	vst v63  }
0x5d: {  	_ =	swait.ge [sflag:s26], $0x2000  }
0x5e: {  	s14 =	sld [smem:$0x7F8]  }
0x5f: {  	[sflag:s26] =	ssyncset.done $0x0  }
0x60: {  	[sflag:s26] =	ssyncadd.s32 $0xFFFFE000  }
0x61: {  	[spmem:s14] =	stream.linear.scatter [tilespmem:s10], [sflag:$0xA], $0x2000, $0x38;
	[tilespmem:$0x1F290] =	vst v63  }
0x62: {  	_ =	swait.ge [sflag:s26], $0x2000  }
0x63: {  	s23 =	sld [smem:$0x7F9]  }
0x64: {  	[sflag:s26] =	ssyncset.done $0x0  }
0x65: {  	[sflag:s26] =	ssyncadd.s32 $0xFFFFE000  }
0x66: {  	[spmem:s23] =	stream.linear.scatter [tilespmem:s10], [sflag:$0xA], $0x2000, $0x38;
	[tilespmem:$0x1F290] =	vst v63  }
0x67: {  	_ =	swait.ge [sflag:s26], $0x2000  }
0x68: {  	s28 =	sld [smem:$0x7FA]  }
0x69: {  	[sflag:s26] =	ssyncset.done $0x0  }
0x6a: {  	[sflag:s26] =	ssyncadd.s32 $0xFFFFE000  }
0x6b: {  	[spmem:s28] =	stream.linear.scatter [tilespmem:s10], [sflag:$0xA], $0x2000, $0x38;
	[tilespmem:$0x1F290] =	vst v63  }
0x6c: {  	_ =	swait.ge [sflag:s26], $0x2000  }
0x6d: {  	s11 =	sld [smem:$0x7FB]  }
0x6e: {  	[sflag:s26] =	ssyncset.done $0x0  }
0x6f: {  	[sflag:s26] =	ssyncadd.s32 $0xFFFFE000  }
0x70: {  	[spmem:s11] =	stream.linear.scatter [tilespmem:s10], [sflag:$0xA], $0x2000, $0x38;
	[tilespmem:$0x1F290] =	vst v63  }
0x71: {  	_ =	swait.ge [sflag:s26], $0x2000  }
0x72: {  	s14 =	sld [smem:$0x7FC]  }
0x73: {  	[sflag:s26] =	ssyncset.done $0x0  }
0x74: {  	[sflag:s26] =	ssyncadd.s32 $0xFFFFE000  }
0x75: {  	[spmem:s14] =	stream.linear.scatter [tilespmem:s10], [sflag:$0xA], $0x2000, $0x38;
	[tilespmem:$0x1F290] =	vst v63  }
0x76: {  	_ =	swait.ge [sflag:s26], $0x2000  }
0x77: {  	s23 =	sld [smem:$0x7FD]  }
0x78: {  	[sflag:s26] =	ssyncset.done $0x0  }
0x79: {  	[sflag:s26] =	ssyncadd.s32 $0xFFFFE000  }
0x7a: {  	[spmem:s23] =	stream.linear.scatter [tilespmem:s10], [sflag:$0xA], $0x2000, $0x38;
	[tilespmem:$0x1F290] =	vst v63  }
0x7b: {  	_ =	swait.ge [sflag:s26], $0x2000  }
0x7c: {  	[sflag:s26] =	ssyncset.done $0x0  }
0x7d: {  	[sflag:s26] =	ssyncadd.s32 $0xFFFFE000  }
0x7e: {  	s11 =	simm.s32 $0x14000;
	[bflag:$0x0] =	sbarrier.arrive $0xFFFF  }
0x7f: {  	s14 =	simm.s32 $0x1;
	s23 =	simm.s32 $0x0;
	s28 =	rddreg [dreg:$0x10]  }
0x80: {  	v6 =	vld.idx.msk [tilespmem:v2+s25+$0x0], $0xffff;
	[tilespmem:s11], [sflag:$0x1] =	stream.linear.gather [hbm4b:s28+s23], $0x100, $0x38  }
0x81: {  	_ =	swait.ge [sflag:s14], $0x100  }
0x82: {  	[sflag:s14] =	ssyncset.done $0x0  }
0x83: {  	[sflag:s14] =	ssyncadd.s32 $0xFFFFFF00  }
0x84: {  	[tilespmem:s13], [sflag:$0x7] =	stream.indirect.gather [hbm4b:s15+s31], $0x40, s11, s31, $0xb8;
	[tilespmem:$0x1F290] =	vst v63  }
0x85: {  	s14 =	simm.s32 $0x14040  }
0x86: {  	[tilespmem:s1], [sflag:$0x8] =	stream.indirect.gather [hbm4b:s17+s31], $0x40, s14, s31, $0xb8;
	[tilespmem:$0x1F290] =	vst v63  }
0x87: {  	s28 =	simm.s32 $0x14080  }
0x88: {  	[tilespmem:s2], [sflag:$0x9] =	stream.indirect.gather [hbm4b:s18+s31], $0x40, s28, s31, $0xb8;
	[tilespmem:$0x1F290] =	vst v63  }
0x89: {  	s28 =	rddreg [dreg:$0x0]  }
0x8a: {  	[tilespmem:s10], [sflag:$0x3] =	stream.indirect.gather [hbm4b:s28+s31], $0x80, s11, s31, $0xb8;
	[tilespmem:$0x1F290] =	vst v63  }
.Ltmp1:
0x8b: {  	_ = 	snop;
	(pc) =	sbr.rel .LBB2_4-.Ltmp1, $4  }
0x8c: {  	s11 =	simm.s32 $0x18200  }
0x8d: {  	[tilespmem:s11], [sflag:$0x5] =	stream.indirect.gather [hbm4b:s16+s31], $0x80, s14, s31, $0xb8;
	[tilespmem:$0x1F290] =	vst v63  }
0x8e: {  	s28 =	rddreg [dreg:$0x1d];
	s11 =	simm.s32 $0x0  }
0x8f: {  	[tilespmem:s4], [sflag:$0x2] =	stream.linear.gather [hbm4b:s28+s23], $0x100, $0x38;
	[tilespmem:$0x1F290] =	vst v63  }
.LBB2_13:
0x90: {  	s10 =	rddreg [dreg:$0x0];
	s14 =	simm.s32 $0x14200;
	s23 =	simm.s32 $0x14000  }
0x91: {  	[tilespmem:s14], [sflag:$0x3] =	stream.indirect.gather [hbm4b:s10+s31], $0x80, s23, s31, $0xb8;
	[tilespmem:$0x1F290] =	vst v63  }
0x92: {  	s28 =	simm.s32 $0x18200;
	s23 =	simm.s32 $0x14040  }
0x93: {  	[tilespmem:s28], [sflag:$0x5] =	stream.indirect.gather [hbm4b:s16+s31], $0x80, s23, s31, $0xb8;
	[tilespmem:$0x1F290] =	vst v63  }
.LBB2_15:
0x94: {  	s10 =	rddreg [dreg:$0x11]  }
0x95: {  	s3 =	sadd.s32 s3, s10  }
0x96: {  	s3 =	sshll.u32 s3, $0x5  }
0x97: {  	s3 =	sand.u32 $0x1FFFFFE0, s3  }
0x98: {  	s28 =	simm.s32 $0x0;
	s11 =	sadd.s32 $0x1, s11;
	s3 =	sadd.s32 s19, s3  }
0x99: {  	[tilespmem:s4], [sflag:$0x2] =	stream.linear.gather [hbm4b:s3+s28], $0x100, $0x38;
	[tilespmem:$0x1F290] =	vst v63  }
.LBB2_4:
0x9a: {  	_ =	swait.ge [sflag:s5], $0x1000  }
0x9b: {  	s3 =	simm.s32 $0x0;
	[sflag:s5] =	ssyncset.done $0x0  }
0x9c: {  	v7 =	vmov s3;
	[sflag:s5] =	ssyncadd.s32 $0xFFFFF000  }
0x9d: {  	v8 =	vand.u32 $0x3F, v7;
	_ =	swait.ge [sflag:s6], $0x1000  }
0x9e: {  	v9 =	vor.u32 v5, v8;
	[sflag:s6] =	ssyncset.done $0x0  }
0x9f: {  	[sflag:s6] =	ssyncadd.s32 $0xFFFFF000  }
0xa0: {  	v10 =	vor.u32 v0, v8;
	_ =	swait.ge [sflag:s7], $0x1000  }
0xa1: {  	[sflag:s7] =	ssyncset.done $0x0  }
0xa2: {  	[sflag:s7] =	ssyncadd.s32 $0xFFFFF000  }
0xa3: {  	v11 =	vor.u32 v3, v8;
	v12 =	vld.idx.msk [tilespmem:v9+s13+$0x0], $0xffff  }
0xa4: {  	v13 =	vld.idx.msk [tilespmem:v9+s1+$0x0], $0xffff  }
0xa5: {  	v14 =	vld.idx.msk [tilespmem:v10+s13+$0x0], $0xffff  }
0xa6: {  	v16 =	vor.u32 v4, v8;
	v9 =	vld.idx.msk [tilespmem:v9+s2+$0x0], $0xffff  }
0xa7: {  	v17 =	vld.idx.msk [tilespmem:v10+s1+$0x0], $0xffff  }
0xa8: {  	s23 =	simm.s32 $0x1;
	v18 =	vld.idx.msk [tilespmem:v11+s13+$0x0], $0xffff  }
0xa9: {  	v19 =	vmov s23;
	v8 =	vld.idx.msk [tilespmem:v7+s25+$0x0], $0xffff  }
0xaa: {  	v7 =	vand.u32 $0x3F, v19;
	v20 =	vld.idx.msk [tilespmem:v11+s1+$0x0], $0xffff  }
0xab: {  	v23 =	vld.idx.msk [tilespmem:v16+s13+$0x0], $0xffff;
	v21 =	vor.u32 v5, v7  }
0xac: {  	v24 =	vld.idx.msk [tilespmem:v16+s1+$0x0], $0xffff  }
0xad: {  	v25 =	vld.idx.msk [tilespmem:v10+s2+$0x0], $0xffff;
	v15 =	vor.u32 v0, v7  }
0xae: {  	v11 =	vld.idx.msk [tilespmem:v11+s2+$0x0], $0xffff  }
0xaf: {  	v16 =	vld.idx.msk [tilespmem:v16+s2+$0x0], $0xffff  }
0xb0: {  	v10 =	vadd.f32 v13, v12;
	v13 =	vor.u32 v3, v7;
	v12 =	vadd.f32 v17, v14;
	v27 =	vld.idx.msk [tilespmem:v21+s13+$0x0], $0xffff  }
0xb1: {  	v17 =	vadd.f32 v20, v18;
	v18 =	vadd.f32 v24, v23;
	v14 =	vld.idx.msk [tilespmem:v21+s1+$0x0], $0xffff  }
0xb2: {  	v22 =	vld.idx.msk [tilespmem:v15+s13+$0x0], $0xffff;
	v9 =	vadd.f32 v9, v10;
	v20 =	vadd.f32 v25, v12  }
0xb3: {  	v10 =	vld.idx.msk [tilespmem:v21+s2+$0x0], $0xffff;
	v12 =	vor.u32 v4, v7;
	v11 =	vadd.f32 v11, v17  }
0xb4: {  	s28 =	simm.s32 $0x2;
	v25 =	vld.idx.msk [tilespmem:v15+s1+$0x0], $0xffff;
	v21 =	vadd.f32 v16, v18;
	v9 =	vmax.f32 v9, $0.0e+00;
	v20 =	vmax.f32 v20, $0.0e+00  }
0xb5: {  	v18 =	vmov s28;
	v24 =	vmax.f32 v11, $0.0e+00;
	v9 =	vmul.f32 v9, v8;
	v17 =	vld.idx.msk [tilespmem:v13+s13+$0x0], $0xffff  }
0xb6: {  	v21 =	vmax.f32 v21, $0.0e+00;
	v26 =	vmul.f32 v20, v8;
	v23 =	vld.idx.msk [tilespmem:v13+s1+$0x0], $0xffff;
	v16 =	vadd.f32 v14, v27  }
0xb7: {  	s3 =	simm.s32 $0x3;
	v14 =	vmovc v6;
	v11 =	vmovc v6;
	v7 =	vadd.f32 v9, v6;
	v9 =	vld.idx.msk [tilespmem:v19+s25+$0x0], $0xffff;
	v19 =	vand.u32 $0x3F, v18;
	v20 =	vmov v6  }
.LBB2_5:
0xb8: {  	p0 =	sne.s32 s3, $0x3F;
	v27 =	vor.u32 v0, v19;
	v28 =	vor.u32 v3, v19;
	v29 =	vor.u32 v5, v19;
	v30 =	vld.idx.msk [tilespmem:v12+s13+$0x0], $0xffff  }
0xb9: {  	v19 =	vor.u32 v4, v19;
	v31 =	vld.idx.msk [tilespmem:v12+s1+$0x0], $0xffff;
	v10 =	vadd.f32 v10, v16;
	v16 =	vmul.f32 v24, v8  }
0xba: {  	v20 =	vadd.f32 v26, v20;
	v25 =	vadd.f32 v25, v22;
	v22 =	vmul.f32 v21, v8;
	v24 =	vld.idx.msk [tilespmem:v15+s2+$0x0], $0xffff  }
0xbb: {  	v15 =	vmovc v27;
	v21 =	vld.idx.msk [tilespmem:v13+s2+$0x0], $0xffff;
	v10 =	vmax.f32 v10, $0.0e+00;
	v14 =	vadd.f32 v16, v14;
	v13 =	vmov v28  }
0xbc: {  	v11 =	vadd.f32 v22, v11;
	v8 =	vmovc v9;
	v16 =	vld.idx.msk [tilespmem:v12+s2+$0x0], $0xffff;
	v10 =	vmul.f32 v10, v9;
	v12 =	vmov v19  }
0xbd: {  	v9 =	vadd.f32 v23, v17;
	v28 =	vld.idx.msk [tilespmem:v29+s13+$0x0], $0xffff  }
0xbe: {  	v32 =	vld.idx.msk [tilespmem:v29+s1+$0x0], $0xffff;
	v7 =	vadd.f32 v10, v7  }
0xbf: {  	v19 =	vadd.f32 v31, v30;
	v22 =	vld.idx.msk [tilespmem:v27+s13+$0x0], $0xffff  }
.Ltmp2:
0xc0: {  	v23 =	vadd.f32 v24, v25;
	v10 =	vld.idx.msk [tilespmem:v29+s2+$0x0], $0xffff;
	(pc) =	sbr.rel @p0 .LBB2_5-.Ltmp2, $4  }
0xc1: {  	v21 =	vadd.f32 v21, v9;
	v25 =	vld.idx.msk [tilespmem:v27+s1+$0x0], $0xffff  }
0xc2: {  	v23 =	vmax.f32 v23, $0.0e+00;
	v27 =	vadd.f32 v16, v19;
	v17 =	vld.idx.msk [tilespmem:v13+s13+$0x0], $0xffff  }
0xc3: {  	v26 =	vmul.f32 v23, v8;
	v24 =	vmax.f32 v21, $0.0e+00;
	v9 =	vld.idx.msk [tilespmem:v18+s25+$0x0], $0xffff;
	v18 =	vmov s3  }
0xc4: {  	s3 =	sadd.s32 $0x1, s3;
	v16 =	vadd.f32 v32, v28;
	v21 =	vmax.f32 v27, $0.0e+00;
	v19 =	vand.u32 $0x3F, v18;
	v23 =	vld.idx.msk [tilespmem:v13+s1+$0x0], $0xffff  }
0xc5: {  	v27 =	vor.u32 v0, v19;
	_ =	sdelay $0x3  }
0xc6: {  	v15 =	vld.idx.msk [tilespmem:v15+s2+$0x0], $0xffff  }
0xc7: {  	v28 =	vld.idx.msk [tilespmem:v27+s13+$0x0], $0xffff  }
0xc8: {  	v29 =	vld.idx.msk [tilespmem:v27+s1+$0x0], $0xffff;
	_ =	sdelay $0x1  }
0xc9: {  	v27 =	vld.idx.msk [tilespmem:v27+s2+$0x0], $0xffff  }
0xca: {  	v22 =	vadd.f32 v25, v22;
	_ =	sdelay $0x1  }
0xcb: {  	v18 =	vld.idx.msk [tilespmem:v18+s25+$0x0], $0xffff;
	v15 =	vadd.f32 v15, v22;
	v44 =	vadd.f32 v29, v28;
	_ =	sdelay $0x1  }
0xcc: {  	v45 =	vor.u32 v3, v19;
	v15 =	vmax.f32 v15, $0.0e+00;
	v22 =	vadd.f32 v27, v44  }
0xcd: {  	v20 =	vadd.f32 v26, v20;
	v15 =	vmul.f32 v15, v9  }
0xce: {  	v22 =	vmax.f32 v22, $0.0e+00  }
0xcf: {  	v15 =	vadd.f32 v15, v20;
	v46 =	vmul.f32 v22, v18  }
0xd0: {  	v13 =	vld.idx.msk [tilespmem:v13+s2+$0x0], $0xffff  }
0xd1: {  	v47 =	vld.idx.msk [tilespmem:v45+s13+$0x0], $0xffff;
	v15 =	vadd.f32 v46, v15  }
0xd2: {  	v48 =	vld.idx.msk [tilespmem:v45+s1+$0x0], $0xffff  }
0xd3: {  	v15 =	vsub.f32 $0.0e+00, v15  }
0xd4: {  	v25 =	vld.idx.msk [tilespmem:v45+s2+$0x0], $0xffff  }
0xd5: {  	v17 =	vadd.f32 v23, v17;
	v15 =	vmul.f32 $1.442695020e+00, v15;
	_ =	sdelay $0x1  }
0xd6: {  	v13 =	vadd.f32 v13, v17;
	v49 =	vadd.f32 v48, v47;
	(erf) = vpow2.f32 v15  }
0xd7: {  	v50 =	vmul.f32 v24, v8  }
0xd8: {  	v51 =	vor.u32 v4, v19;
	v13 =	vmax.f32 v13, $0.0e+00;
	v17 =	vadd.f32 v25, v49  }
0xd9: {  	v14 =	vadd.f32 v50, v14;
	v13 =	vmul.f32 v13, v9  }
0xda: {  	v52 =	vld.idx.msk [tilespmem:v12+s13+$0x0], $0xffff;
	v17 =	vmax.f32 v17, $0.0e+00  }
0xdb: {  	v53 =	vld.idx.msk [tilespmem:v12+s1+$0x0], $0xffff;
	v13 =	vadd.f32 v13, v14;
	v54 =	vmul.f32 v17, v18  }
0xdc: {  	v55 =	vld.idx.msk [tilespmem:v12+s2+$0x0], $0xffff  }
0xdd: {  	v56 =	vld.idx.msk [tilespmem:v51+s13+$0x0], $0xffff;
	v13 =	vadd.f32 v54, v13  }
0xde: {  	v57 =	vld.idx.msk [tilespmem:v51+s1+$0x0], $0xffff  }
0xdf: {  	v13 =	vsub.f32 $0.0e+00, v13;
	v58 =	vpop (erf)  }
0xe0: {  	v20 =	vld.idx.msk [tilespmem:v51+s2+$0x0], $0xffff;
	v23 =	vadd.f32 $1.000000000e+00, v58  }
0xe1: {  	v13 =	vmul.f32 $1.442695020e+00, v13;
	v15 =	vadd.f32 v53, v52  }
0xe2: {  	(erf) = vrcp.f32 v23  }
0xe3: {  	v14 =	vadd.f32 v57, v56;
	v12 =	vadd.f32 v55, v15;
	(erf) = vpow2.f32 v13  }
0xe4: {  	v8 =	vmul.f32 v21, v8;
	v59 =	vor.u32 v5, v19  }
0xe5: {  	v14 =	vadd.f32 v20, v14;
	v12 =	vmax.f32 v12, $0.0e+00  }
0xe6: {  	v8 =	vadd.f32 v8, v11;
	v11 =	vmul.f32 v12, v9  }
0xe7: {  	v60 =	vmax.f32 v14, $0.0e+00  }
0xe8: {  	v8 =	vadd.f32 v11, v8;
	v11 =	vmul.f32 v60, v18  }
0xe9: {  	v61 =	vld.idx.msk [tilespmem:v59+s13+$0x0], $0xffff  }
0xea: {  	v8 =	vadd.f32 v11, v8;
	v11 =	vld.idx.msk [tilespmem:v59+s1+$0x0], $0xffff  }
0xeb: {  	v62 =	vpop (erf)  }
0xec: {  	v8 =	vsub.f32 $0.0e+00, v8;
	v13 =	vld.idx.msk [tilespmem:v59+s2+$0x0], $0xffff;
	v63 =	vpop (erf)  }
0xed: {  	v15 =	vadd.f32 $1.000000000e+00, v63  }
0xee: {  	v8 =	vmul.f32 $1.442695020e+00, v8  }
0xef: {  	v10 =	vadd.f32 v10, v16;
	v11 =	vadd.f32 v11, v61;
	(erf) = vrcp.f32 v15  }
0xf0: {  	(erf) = vpow2.f32 v8  }
0xf1: {  	v8 =	vmax.f32 v10, $0.0e+00;
	v10 =	vadd.f32 v13, v11  }
0xf2: {  	v8 =	vmul.f32 v8, v9  }
0xf3: {  	v9 =	vmax.f32 v10, $0.0e+00  }
0xf4: {  	v7 =	vadd.f32 v8, v7;
	v8 =	vmul.f32 v9, v18;
	_ =	sdelay $0x2  }
0xf5: {  	v7 =	vadd.f32 v8, v7  }
0xf6: {  	v8 =	vpop (erf)  }
0xf7: {  	v7 =	vsub.f32 $0.0e+00, v7;
	v9 =	vpop (erf)  }
0xf8: {  	v9 =	vadd.f32 $1.000000000e+00, v9  }
0xf9: {  	v7 =	vmul.f32 $1.442695020e+00, v7  }
0xfa: {  	(erf) = vrcp.f32 v9  }
0xfb: {  	(erf) = vpow2.f32 v7;
	_ =	sdelay $0x7  }
0xfc: {  	v7 =	vpop (erf)  }
0xfd: {  	v9 =	vpop (erf)  }
0xfe: {  	v9 =	vadd.f32 $1.000000000e+00, v9;
	_ =	sdelay $0x1  }
0xff: {  	(erf) = vrcp.f32 v9;
	_ =	sdelay $0x6  }
0x100: {  	[tilespmem:$0x1F200] =	vst v62  }
0x101: {  	[tilespmem:$0x1F210] =	vst v8  }
0x102: {  	[tilespmem:$0x1F220] =	vst v7;
	v7 =	vpop (erf)  }
0x103: {  	[tilespmem:$0x1F230] =	vst v7  }
0x104: {  	_ =	swait.ge [sflag:s8], $0x100  }
0x105: {  	[sflag:s8] =	ssyncset.done $0x0  }
0x106: {  	[sflag:s8] =	ssyncadd.s32 $0xFFFFFF00  }
0x107: {  	[tilespmem:s13], [sflag:$0x7] =	stream.indirect.gather [hbm4b:s15+s31], $0x40, s4, s31, $0xb8;
	[tilespmem:$0x1F290] =	vst v63  }
0x108: {  	_ = 	snop  }
0x109: {  	[tilespmem:s1], [sflag:$0x8] =	stream.indirect.gather [hbm4b:s17+s31], $0x40, s9, s31, $0xb8;
	[tilespmem:$0x1F290] =	vst v63  }
0x10a: {  	s3 =	simm.s32 $0x14180  }
0x10b: {  	[tilespmem:s2], [sflag:$0x9] =	stream.indirect.gather [hbm4b:s18+s31], $0x40, s3, s31, $0xb8;
	[tilespmem:$0x1F290] =	vst v63  }
0x10c: {  	_ =	swait.ge [sflag:s20], $0x2000  }
0x10d: {  	[sflag:s20] =	ssyncset.done $0x0  }
0x10e: {  	[sflag:s20] =	ssyncadd.s32 $0xFFFFE000  }
0x10f: {  	s23 =	simm.s32 $0x0;
	_ =	swait.ge [sflag:s24], $0x2000  }
0x110: {  	v7 =	vmov s23;
	[sflag:s24] =	ssyncset.done $0x0  }
0x111: {  	s10 =	simm.s32 $0x14240;
	[sflag:s24] =	ssyncadd.s32 $0xFFFFE000  }
0x112: {  	s3 =	simm.s32 $0x18240;
	v8 =	vld [tilespmem:s10+$0xFFFFFFC0]  }
0x113: {  	v9 =	vld [tilespmem:s3+$0xFFFFFFC0];
	_ =	sdelay $0x1  }
0x114: {  	v7 =	vld.idx.msk [tilespmem:v7+s21+$0x0], $0xffff;
	_ =	sdelay $0x2  }
0x115: {  	v8 =	vmul.f32 v9, v8;
	_ =	sdelay $0x1  }
0x116: {  	v8 =	vmul.f32 v8, v7;
	_ =	sdelay $0x1  }
0x117: {  	[tilespmem:s10+$0xFFFFFFC0] =	vst v8;
	v8 =	vld [tilespmem:s10+$0xFFFFFFD0]  }
0x118: {  	v9 =	vld [tilespmem:s3+$0xFFFFFFD0];
	_ =	sdelay $0x4  }
0x119: {  	v8 =	vmul.f32 v9, v8;
	_ =	sdelay $0x1  }
0x11a: {  	v8 =	vmul.f32 v8, v7;
	_ =	sdelay $0x1  }
0x11b: {  	[tilespmem:s10+$0xFFFFFFD0] =	vst v8;
	v8 =	vld [tilespmem:s10+$0xFFFFFFE0]  }
0x11c: {  	v9 =	vld [tilespmem:s3+$0xFFFFFFE0];
	_ =	sdelay $0x4  }
0x11d: {  	v8 =	vmul.f32 v9, v8;
	_ =	sdelay $0x1  }
0x11e: {  	v8 =	vmul.f32 v8, v7;
	_ =	sdelay $0x1  }
0x11f: {  	[tilespmem:s10+$0xFFFFFFE0] =	vst v8;
	v8 =	vld [tilespmem:s10+$0xFFFFFFF0]  }
0x120: {  	v9 =	vld [tilespmem:s3+$0xFFFFFFF0];
	_ =	sdelay $0x4  }
0x121: {  	v8 =	vmul.f32 v9, v8;
	_ =	sdelay $0x1  }
0x122: {  	v8 =	vmul.f32 v8, v7;
	_ =	sdelay $0x1  }
0x123: {  	[tilespmem:s10+$0xFFFFFFF0] =	vst v8;
	v8 =	vld [tilespmem:s10+$0x0]  }
0x124: {  	v9 =	vld [tilespmem:s3+$0x0];
	_ =	sdelay $0x4  }
0x125: {  	v8 =	vmul.f32 v9, v8;
	_ =	sdelay $0x1  }
0x126: {  	v8 =	vmul.f32 v8, v7;
	_ =	sdelay $0x1  }
0x127: {  	[tilespmem:s10+$0x0] =	vst v8;
	v8 =	vld [tilespmem:s10+$0x10]  }
0x128: {  	v9 =	vld [tilespmem:s3+$0x10];
	_ =	sdelay $0x4  }
0x129: {  	v8 =	vmul.f32 v9, v8;
	_ =	sdelay $0x1  }
0x12a: {  	v8 =	vmul.f32 v8, v7;
	_ =	sdelay $0x1  }
0x12b: {  	[tilespmem:s10+$0x10] =	vst v8;
	v8 =	vld [tilespmem:s10+$0x20]  }
0x12c: {  	v9 =	vld [tilespmem:s3+$0x20];
	_ =	sdelay $0x4  }
0x12d: {  	v8 =	vmul.f32 v9, v8;
	_ =	sdelay $0x1  }
0x12e: {  	v8 =	vmul.f32 v8, v7;
	_ =	sdelay $0x1  }
0x12f: {  	[tilespmem:s10+$0x20] =	vst v8;
	v8 =	vld [tilespmem:s10+$0x30]  }
0x130: {  	v9 =	vld [tilespmem:s3+$0x30];
	_ =	sdelay $0x4  }
0x131: {  	s14 =	simm.s32 $0x1;
	v9 =	vmul.f32 v9, v8  }
0x132: {  	s28 =	simm.s32 $0x2;
	v8 =	vmov s14;
	s14 =	simm.s32 $0x14240  }
.LBB2_7:
0x133: {  	p0 =	sne.s32 s28, $0x3F;
	v7 =	vmul.f32 v9, v7  }
0x134: {  	s10 =	sadd.s32 $0x80, s10  }
0x135: {  	s3 =	sadd.s32 $0x80, s3;
	v9 =	vld [tilespmem:s10+$0xFFFFFFC0];
	[tilespmem:s14+$0x30] =	vst v7;
	s14 =	smov.u32 s10  }
0x136: {  	v10 =	vld [tilespmem:s3+$0xFFFFFFC0]  }
0x137: {  	v7 =	vld.idx.msk [tilespmem:v8+s21+$0x0], $0xffff;
	_ =	sdelay $0x3  }
0x138: {  	v8 =	vmul.f32 v10, v9;
	_ =	sdelay $0x1  }
0x139: {  	v8 =	vmul.f32 v8, v7;
	_ =	sdelay $0x1  }
0x13a: {  	[tilespmem:s10+$0xFFFFFFC0] =	vst v8;
	v8 =	vld [tilespmem:s10+$0xFFFFFFD0]  }
0x13b: {  	v9 =	vld [tilespmem:s3+$0xFFFFFFD0];
	_ =	sdelay $0x4  }
0x13c: {  	v8 =	vmul.f32 v9, v8;
	_ =	sdelay $0x1  }
0x13d: {  	v8 =	vmul.f32 v8, v7;
	_ =	sdelay $0x1  }
0x13e: {  	[tilespmem:s10+$0xFFFFFFD0] =	vst v8;
	v8 =	vld [tilespmem:s10+$0xFFFFFFE0]  }
0x13f: {  	v9 =	vld [tilespmem:s3+$0xFFFFFFE0];
	_ =	sdelay $0x4  }
0x140: {  	v8 =	vmul.f32 v9, v8;
	_ =	sdelay $0x1  }
0x141: {  	v8 =	vmul.f32 v8, v7;
	_ =	sdelay $0x1  }
0x142: {  	[tilespmem:s10+$0xFFFFFFE0] =	vst v8;
	v8 =	vld [tilespmem:s10+$0xFFFFFFF0]  }
0x143: {  	v9 =	vld [tilespmem:s3+$0xFFFFFFF0];
	_ =	sdelay $0x4  }
0x144: {  	v8 =	vmul.f32 v9, v8;
	_ =	sdelay $0x1  }
0x145: {  	v8 =	vmul.f32 v8, v7;
	_ =	sdelay $0x1  }
0x146: {  	[tilespmem:s10+$0xFFFFFFF0] =	vst v8;
	v8 =	vld [tilespmem:s10+$0x0]  }
0x147: {  	v9 =	vld [tilespmem:s3+$0x0];
	_ =	sdelay $0x4  }
0x148: {  	v8 =	vmul.f32 v9, v8;
	_ =	sdelay $0x1  }
0x149: {  	v8 =	vmul.f32 v8, v7;
	_ =	sdelay $0x1  }
0x14a: {  	[tilespmem:s10+$0x0] =	vst v8;
	v8 =	vld [tilespmem:s10+$0x10]  }
0x14b: {  	v9 =	vld [tilespmem:s3+$0x10];
	_ =	sdelay $0x4  }
0x14c: {  	v8 =	vmul.f32 v9, v8;
	_ =	sdelay $0x1  }
0x14d: {  	v8 =	vmul.f32 v8, v7;
	_ =	sdelay $0x1  }
0x14e: {  	[tilespmem:s10+$0x10] =	vst v8;
	v8 =	vld [tilespmem:s10+$0x20]  }
0x14f: {  	v9 =	vld [tilespmem:s3+$0x20];
	_ =	sdelay $0x4  }
0x150: {  	v8 =	vmul.f32 v9, v8;
	_ =	sdelay $0x1  }
0x151: {  	v8 =	vmul.f32 v8, v7;
	_ =	sdelay $0x1  }
0x152: {  	[tilespmem:s10+$0x20] =	vst v8;
	v8 =	vld [tilespmem:s10+$0x30]  }
0x153: {  	v9 =	vld [tilespmem:s3+$0x30];
	_ =	sdelay $0x1  }
.Ltmp3:
0x154: {  	(pc) =	sbr.rel @p0 .LBB2_7-.Ltmp3, $3  }
0x155: {  	_ =	sdelay $0x1  }
0x156: {  	v9 =	vmul.f32 v9, v8  }
0x157: {  	v8 =	vmov s28;
	s28 =	sadd.s32 $0x1, s28  }
0x158: {  	v7 =	vmul.f32 v9, v7  }
0x159: {  	s10 =	sadd.s32 $0x80, s10  }
0x15a: {  	s3 =	sadd.s32 $0x80, s3;
	v9 =	vld [tilespmem:s10+$0xFFFFFFC0];
	[tilespmem:s14+$0x30] =	vst v7  }
0x15b: {  	v7 =	vld [tilespmem:s3+$0xFFFFFFC0];
	_ =	sdelay $0x1  }
0x15c: {  	v8 =	vld.idx.msk [tilespmem:v8+s21+$0x0], $0xffff;
	_ =	sdelay $0x2  }
0x15d: {  	v7 =	vmul.f32 v7, v9;
	_ =	sdelay $0x1  }
0x15e: {  	v7 =	vmul.f32 v7, v8;
	_ =	sdelay $0x1  }
0x15f: {  	[tilespmem:s10+$0xFFFFFFC0] =	vst v7;
	v7 =	vld [tilespmem:s10+$0xFFFFFFD0]  }
0x160: {  	v9 =	vld [tilespmem:s3+$0xFFFFFFD0];
	_ =	sdelay $0x4  }
0x161: {  	v7 =	vmul.f32 v9, v7;
	_ =	sdelay $0x1  }
0x162: {  	v7 =	vmul.f32 v7, v8;
	_ =	sdelay $0x1  }
0x163: {  	[tilespmem:s10+$0xFFFFFFD0] =	vst v7;
	v7 =	vld [tilespmem:s10+$0xFFFFFFE0]  }
0x164: {  	v9 =	vld [tilespmem:s3+$0xFFFFFFE0];
	_ =	sdelay $0x4  }
0x165: {  	v7 =	vmul.f32 v9, v7;
	_ =	sdelay $0x1  }
0x166: {  	v7 =	vmul.f32 v7, v8;
	_ =	sdelay $0x1  }
0x167: {  	[tilespmem:s10+$0xFFFFFFE0] =	vst v7;
	v7 =	vld [tilespmem:s10+$0xFFFFFFF0]  }
0x168: {  	v9 =	vld [tilespmem:s3+$0xFFFFFFF0];
	_ =	sdelay $0x4  }
0x169: {  	v7 =	vmul.f32 v9, v7;
	_ =	sdelay $0x1  }
0x16a: {  	v7 =	vmul.f32 v7, v8;
	_ =	sdelay $0x1  }
0x16b: {  	[tilespmem:s10+$0xFFFFFFF0] =	vst v7;
	v7 =	vld [tilespmem:s10+$0x0]  }
0x16c: {  	v9 =	vld [tilespmem:s3+$0x0];
	_ =	sdelay $0x4  }
0x16d: {  	v7 =	vmul.f32 v9, v7;
	_ =	sdelay $0x1  }
0x16e: {  	v7 =	vmul.f32 v7, v8;
	_ =	sdelay $0x1  }
0x16f: {  	[tilespmem:s10+$0x0] =	vst v7;
	v7 =	vld [tilespmem:s10+$0x10]  }
0x170: {  	v9 =	vld [tilespmem:s3+$0x10];
	_ =	sdelay $0x4  }
0x171: {  	v7 =	vmul.f32 v9, v7;
	_ =	sdelay $0x1  }
0x172: {  	v7 =	vmul.f32 v7, v8;
	_ =	sdelay $0x1  }
0x173: {  	[tilespmem:s10+$0x10] =	vst v7;
	v7 =	vld [tilespmem:s10+$0x20]  }
0x174: {  	v9 =	vld [tilespmem:s3+$0x20];
	_ =	sdelay $0x4  }
0x175: {  	v7 =	vmul.f32 v9, v7;
	_ =	sdelay $0x1  }
0x176: {  	v7 =	vmul.f32 v7, v8;
	_ =	sdelay $0x1  }
0x177: {  	[tilespmem:s10+$0x20] =	vst v7;
	v7 =	vld [tilespmem:s10+$0x30]  }
0x178: {  	v9 =	vld [tilespmem:s3+$0x30];
	_ =	sdelay $0x4  }
0x179: {  	v7 =	vmul.f32 v9, v7;
	_ =	sdelay $0x1  }
0x17a: {  	v7 =	vmul.f32 v7, v8;
	_ =	sdelay $0x1  }
0x17b: {  	s23 =	simm.s32 $0x14200;
	[tilespmem:s10+$0x30] =	vst v7  }
0x17c: {  	[spmem:s12] =	stream.linear.scatter [tilespmem:s23], [sflag:$0xA], $0x2000, $0x38;
	[tilespmem:$0x1F290] =	vst v63  }
0x17d: {  	_ =	swait.ge [sflag:s26], $0x2000  }
0x17e: {  	[sflag:s26] =	ssyncset.done $0x0  }
0x17f: {  	[sflag:s26] =	ssyncadd.s32 $0xFFFFE000  }
0x180: {  	s28 =	rddreg [dreg:$0x0]  }
0x181: {  	[tilespmem:s30], [sflag:$0x4] =	stream.indirect.gather [hbm4b:s28+s31], $0x80, s4, s31, $0xb8;
	[tilespmem:$0x1F290] =	vst v63  }
0x182: {  	p0 =	seq.s32 s11, $0x4F;
	s3 =	sshll.u32 s11, $0x1;
	s10 =	simm.s32 $0x1A200  }
0x183: {  	[tilespmem:s10], [sflag:$0x6] =	stream.indirect.gather [hbm4b:s16+s31], $0x80, s9, s31, $0xb8;
	[tilespmem:$0x1F290] =	vst v63  }
0x184: {  	s10 =	sadd.s32 @!p0 s3, s22  }
0x185: {  	s10 =	sshll.u32 @!p0 s10, $0x5  }
0x186: {  	s10 =	sand.u32 @!p0 $0x1FFFFFC0, s10  }
0x187: {  	s14 =	simm.s32 @!p0 $0x0;
	s23 =	simm.s32 @!p0 $0x14000;
	s10 =	sadd.s32 @!p0 s19, s10  }
0x188: {  	[tilespmem:s23], [sflag:$0x1] =	stream.linear.gather @!p0 [hbm4b:s10+s14], $0x100, $0x38;
	[tilespmem:$0x1F290] =	vst v63  }
0x189: {  	_ =	swait.ge [sflag:s5], $0x1000  }
0x18a: {  	s14 =	simm.s32 $0x0;
	[sflag:s5] =	ssyncset.done $0x0  }
0x18b: {  	v7 =	vmov s14;
	[sflag:s5] =	ssyncadd.s32 $0xFFFFF000  }
0x18c: {  	v8 =	vand.u32 $0x3F, v7;
	_ =	swait.ge [sflag:s6], $0x1000  }
0x18d: {  	v9 =	vor.u32 v5, v8;
	[sflag:s6] =	ssyncset.done $0x0  }
0x18e: {  	[sflag:s6] =	ssyncadd.s32 $0xFFFFF000  }
0x18f: {  	v10 =	vor.u32 v0, v8;
	_ =	swait.ge [sflag:s7], $0x1000  }
0x190: {  	[sflag:s7] =	ssyncset.done $0x0  }
0x191: {  	[sflag:s7] =	ssyncadd.s32 $0xFFFFF000  }
0x192: {  	v11 =	vor.u32 v3, v8;
	v12 =	vld.idx.msk [tilespmem:v9+s13+$0x0], $0xffff  }
0x193: {  	v13 =	vld.idx.msk [tilespmem:v9+s1+$0x0], $0xffff  }
0x194: {  	v14 =	vld.idx.msk [tilespmem:v10+s13+$0x0], $0xffff  }
0x195: {  	v16 =	vor.u32 v4, v8;
	v9 =	vld.idx.msk [tilespmem:v9+s2+$0x0], $0xffff  }
0x196: {  	v17 =	vld.idx.msk [tilespmem:v10+s1+$0x0], $0xffff  }
0x197: {  	s23 =	simm.s32 $0x1;
	v18 =	vld.idx.msk [tilespmem:v11+s13+$0x0], $0xffff  }
0x198: {  	v19 =	vmov s23;
	v8 =	vld.idx.msk [tilespmem:v7+s25+$0x0], $0xffff  }
0x199: {  	v7 =	vand.u32 $0x3F, v19;
	v20 =	vld.idx.msk [tilespmem:v11+s1+$0x0], $0xffff  }
0x19a: {  	v23 =	vld.idx.msk [tilespmem:v16+s13+$0x0], $0xffff;
	v21 =	vor.u32 v5, v7  }
0x19b: {  	v24 =	vld.idx.msk [tilespmem:v16+s1+$0x0], $0xffff  }
0x19c: {  	v25 =	vld.idx.msk [tilespmem:v10+s2+$0x0], $0xffff;
	v15 =	vor.u32 v0, v7  }
0x19d: {  	v11 =	vld.idx.msk [tilespmem:v11+s2+$0x0], $0xffff  }
0x19e: {  	v16 =	vld.idx.msk [tilespmem:v16+s2+$0x0], $0xffff  }
0x19f: {  	v10 =	vadd.f32 v13, v12;
	v13 =	vor.u32 v3, v7;
	v12 =	vadd.f32 v17, v14;
	v27 =	vld.idx.msk [tilespmem:v21+s13+$0x0], $0xffff  }
0x1a0: {  	v17 =	vadd.f32 v20, v18;
	v18 =	vadd.f32 v24, v23;
	v14 =	vld.idx.msk [tilespmem:v21+s1+$0x0], $0xffff  }
0x1a1: {  	v22 =	vld.idx.msk [tilespmem:v15+s13+$0x0], $0xffff;
	v9 =	vadd.f32 v9, v10;
	v20 =	vadd.f32 v25, v12  }
0x1a2: {  	v10 =	vld.idx.msk [tilespmem:v21+s2+$0x0], $0xffff;
	v12 =	vor.u32 v4, v7;
	v11 =	vadd.f32 v11, v17  }
0x1a3: {  	s28 =	simm.s32 $0x2;
	v25 =	vld.idx.msk [tilespmem:v15+s1+$0x0], $0xffff;
	v21 =	vadd.f32 v16, v18;
	v9 =	vmax.f32 v9, $0.0e+00;
	v20 =	vmax.f32 v20, $0.0e+00  }
0x1a4: {  	v18 =	vmov s28;
	v24 =	vmax.f32 v11, $0.0e+00;
	v9 =	vmul.f32 v9, v8;
	v17 =	vld.idx.msk [tilespmem:v13+s13+$0x0], $0xffff  }
0x1a5: {  	v21 =	vmax.f32 v21, $0.0e+00;
	v26 =	vmul.f32 v20, v8;
	v23 =	vld.idx.msk [tilespmem:v13+s1+$0x0], $0xffff;
	v16 =	vadd.f32 v14, v27  }
0x1a6: {  	s10 =	simm.s32 $0x3;
	v14 =	vmovc v6;
	v11 =	vmovc v6;
	v7 =	vadd.f32 v9, v6;
	v9 =	vld.idx.msk [tilespmem:v19+s25+$0x0], $0xffff;
	v19 =	vand.u32 $0x3F, v18;
	v20 =	vmov v6  }
.LBB2_9:
0x1a7: {  	p1 =	sne.s32 s10, $0x3F;
	v27 =	vor.u32 v0, v19;
	v28 =	vor.u32 v3, v19;
	v29 =	vor.u32 v5, v19;
	v30 =	vld.idx.msk [tilespmem:v12+s13+$0x0], $0xffff  }
0x1a8: {  	v19 =	vor.u32 v4, v19;
	v31 =	vld.idx.msk [tilespmem:v12+s1+$0x0], $0xffff;
	v10 =	vadd.f32 v10, v16;
	v16 =	vmul.f32 v24, v8  }
0x1a9: {  	v20 =	vadd.f32 v26, v20;
	v25 =	vadd.f32 v25, v22;
	v22 =	vmul.f32 v21, v8;
	v24 =	vld.idx.msk [tilespmem:v15+s2+$0x0], $0xffff  }
0x1aa: {  	v15 =	vmovc v27;
	v21 =	vld.idx.msk [tilespmem:v13+s2+$0x0], $0xffff;
	v10 =	vmax.f32 v10, $0.0e+00;
	v14 =	vadd.f32 v16, v14;
	v13 =	vmov v28  }
0x1ab: {  	v11 =	vadd.f32 v22, v11;
	v8 =	vmovc v9;
	v16 =	vld.idx.msk [tilespmem:v12+s2+$0x0], $0xffff;
	v10 =	vmul.f32 v10, v9;
	v12 =	vmov v19  }
0x1ac: {  	v9 =	vadd.f32 v23, v17;
	v28 =	vld.idx.msk [tilespmem:v29+s13+$0x0], $0xffff  }
0x1ad: {  	v32 =	vld.idx.msk [tilespmem:v29+s1+$0x0], $0xffff;
	v7 =	vadd.f32 v10, v7  }
0x1ae: {  	v19 =	vadd.f32 v31, v30;
	v22 =	vld.idx.msk [tilespmem:v27+s13+$0x0], $0xffff  }
.Ltmp4:
0x1af: {  	v23 =	vadd.f32 v24, v25;
	v10 =	vld.idx.msk [tilespmem:v29+s2+$0x0], $0xffff;
	(pc) =	sbr.rel @p1 .LBB2_9-.Ltmp4, $4  }
0x1b0: {  	v21 =	vadd.f32 v21, v9;
	v25 =	vld.idx.msk [tilespmem:v27+s1+$0x0], $0xffff  }
0x1b1: {  	v23 =	vmax.f32 v23, $0.0e+00;
	v27 =	vadd.f32 v16, v19;
	v17 =	vld.idx.msk [tilespmem:v13+s13+$0x0], $0xffff  }
0x1b2: {  	v26 =	vmul.f32 v23, v8;
	v24 =	vmax.f32 v21, $0.0e+00;
	v9 =	vld.idx.msk [tilespmem:v18+s25+$0x0], $0xffff;
	v18 =	vmov s10  }
0x1b3: {  	s10 =	sadd.s32 $0x1, s10;
	v16 =	vadd.f32 v32, v28;
	v21 =	vmax.f32 v27, $0.0e+00;
	v19 =	vand.u32 $0x3F, v18;
	v23 =	vld.idx.msk [tilespmem:v13+s1+$0x0], $0xffff  }
0x1b4: {  	v27 =	vor.u32 v0, v19;
	_ =	sdelay $0x3  }
0x1b5: {  	v15 =	vld.idx.msk [tilespmem:v15+s2+$0x0], $0xffff  }
0x1b6: {  	v28 =	vld.idx.msk [tilespmem:v27+s13+$0x0], $0xffff  }
0x1b7: {  	v29 =	vld.idx.msk [tilespmem:v27+s1+$0x0], $0xffff;
	_ =	sdelay $0x1  }
0x1b8: {  	v27 =	vld.idx.msk [tilespmem:v27+s2+$0x0], $0xffff  }
0x1b9: {  	v22 =	vadd.f32 v25, v22;
	_ =	sdelay $0x1  }
0x1ba: {  	v18 =	vld.idx.msk [tilespmem:v18+s25+$0x0], $0xffff;
	v15 =	vadd.f32 v15, v22;
	v44 =	vadd.f32 v29, v28;
	_ =	sdelay $0x1  }
0x1bb: {  	v45 =	vor.u32 v3, v19;
	v15 =	vmax.f32 v15, $0.0e+00;
	v22 =	vadd.f32 v27, v44  }
0x1bc: {  	v20 =	vadd.f32 v26, v20;
	v15 =	vmul.f32 v15, v9  }
0x1bd: {  	v22 =	vmax.f32 v22, $0.0e+00  }
0x1be: {  	v15 =	vadd.f32 v15, v20;
	v46 =	vmul.f32 v22, v18  }
0x1bf: {  	v13 =	vld.idx.msk [tilespmem:v13+s2+$0x0], $0xffff  }
0x1c0: {  	v47 =	vld.idx.msk [tilespmem:v45+s13+$0x0], $0xffff;
	v15 =	vadd.f32 v46, v15  }
0x1c1: {  	v48 =	vld.idx.msk [tilespmem:v45+s1+$0x0], $0xffff  }
0x1c2: {  	v15 =	vsub.f32 $0.0e+00, v15  }
0x1c3: {  	v25 =	vld.idx.msk [tilespmem:v45+s2+$0x0], $0xffff  }
0x1c4: {  	v17 =	vadd.f32 v23, v17;
	v15 =	vmul.f32 $1.442695020e+00, v15;
	_ =	sdelay $0x1  }
0x1c5: {  	v13 =	vadd.f32 v13, v17;
	v49 =	vadd.f32 v48, v47;
	(erf) = vpow2.f32 v15  }
0x1c6: {  	v50 =	vmul.f32 v24, v8  }
0x1c7: {  	v51 =	vor.u32 v4, v19;
	v13 =	vmax.f32 v13, $0.0e+00;
	v17 =	vadd.f32 v25, v49  }
0x1c8: {  	v14 =	vadd.f32 v50, v14;
	v13 =	vmul.f32 v13, v9  }
0x1c9: {  	v52 =	vld.idx.msk [tilespmem:v12+s13+$0x0], $0xffff;
	v17 =	vmax.f32 v17, $0.0e+00  }
0x1ca: {  	v53 =	vld.idx.msk [tilespmem:v12+s1+$0x0], $0xffff;
	v13 =	vadd.f32 v13, v14;
	v54 =	vmul.f32 v17, v18  }
0x1cb: {  	v55 =	vld.idx.msk [tilespmem:v12+s2+$0x0], $0xffff  }
0x1cc: {  	v56 =	vld.idx.msk [tilespmem:v51+s13+$0x0], $0xffff;
	v13 =	vadd.f32 v54, v13  }
0x1cd: {  	v57 =	vld.idx.msk [tilespmem:v51+s1+$0x0], $0xffff  }
0x1ce: {  	v13 =	vsub.f32 $0.0e+00, v13;
	v58 =	vpop (erf)  }
0x1cf: {  	v20 =	vld.idx.msk [tilespmem:v51+s2+$0x0], $0xffff;
	v23 =	vadd.f32 $1.000000000e+00, v58  }
0x1d0: {  	v13 =	vmul.f32 $1.442695020e+00, v13;
	v15 =	vadd.f32 v53, v52  }
0x1d1: {  	(erf) = vrcp.f32 v23  }
0x1d2: {  	v14 =	vadd.f32 v57, v56;
	v12 =	vadd.f32 v55, v15;
	(erf) = vpow2.f32 v13  }
0x1d3: {  	v8 =	vmul.f32 v21, v8;
	v59 =	vor.u32 v5, v19  }
0x1d4: {  	v14 =	vadd.f32 v20, v14;
	v12 =	vmax.f32 v12, $0.0e+00  }
0x1d5: {  	v8 =	vadd.f32 v8, v11;
	v11 =	vmul.f32 v12, v9  }
0x1d6: {  	v60 =	vmax.f32 v14, $0.0e+00  }
0x1d7: {  	v8 =	vadd.f32 v11, v8;
	v11 =	vmul.f32 v60, v18  }
0x1d8: {  	v61 =	vld.idx.msk [tilespmem:v59+s13+$0x0], $0xffff  }
0x1d9: {  	v8 =	vadd.f32 v11, v8;
	v11 =	vld.idx.msk [tilespmem:v59+s1+$0x0], $0xffff  }
0x1da: {  	v62 =	vpop (erf)  }
0x1db: {  	v8 =	vsub.f32 $0.0e+00, v8;
	v13 =	vld.idx.msk [tilespmem:v59+s2+$0x0], $0xffff;
	v63 =	vpop (erf)  }
0x1dc: {  	v15 =	vadd.f32 $1.000000000e+00, v63  }
0x1dd: {  	v8 =	vmul.f32 $1.442695020e+00, v8  }
0x1de: {  	v10 =	vadd.f32 v10, v16;
	v11 =	vadd.f32 v11, v61;
	(erf) = vrcp.f32 v15  }
0x1df: {  	(erf) = vpow2.f32 v8  }
0x1e0: {  	v8 =	vmax.f32 v10, $0.0e+00;
	v10 =	vadd.f32 v13, v11  }
0x1e1: {  	v8 =	vmul.f32 v8, v9  }
0x1e2: {  	v9 =	vmax.f32 v10, $0.0e+00  }
0x1e3: {  	v7 =	vadd.f32 v8, v7;
	v8 =	vmul.f32 v9, v18;
	_ =	sdelay $0x2  }
0x1e4: {  	v7 =	vadd.f32 v8, v7  }
0x1e5: {  	v8 =	vpop (erf)  }
0x1e6: {  	v7 =	vsub.f32 $0.0e+00, v7;
	v9 =	vpop (erf)  }
0x1e7: {  	v9 =	vadd.f32 $1.000000000e+00, v9  }
0x1e8: {  	v7 =	vmul.f32 $1.442695020e+00, v7  }
0x1e9: {  	(erf) = vrcp.f32 v9  }
0x1ea: {  	(erf) = vpow2.f32 v7;
	_ =	sdelay $0x7  }
0x1eb: {  	v7 =	vpop (erf)  }
0x1ec: {  	v9 =	vpop (erf)  }
0x1ed: {  	v9 =	vadd.f32 $1.000000000e+00, v9;
	_ =	sdelay $0x1  }
0x1ee: {  	(erf) = vrcp.f32 v9;
	_ =	sdelay $0x6  }
0x1ef: {  	[tilespmem:$0x1F200] =	vst v62  }
0x1f0: {  	[tilespmem:$0x1F210] =	vst v8  }
0x1f1: {  	p1 =	sgt.u32 s11, $0x4E;
	[tilespmem:$0x1F220] =	vst v7;
	v7 =	vpop (erf)  }
0x1f2: {  	s10 =	simm.s32 @!p1 $0x1;
	[tilespmem:$0x1F230] =	vst v7  }
0x1f3: {  	_ =	swait.ge @!p1 [sflag:s10], $0x100  }
0x1f4: {  	s14 =	simm.s32 @!p1 $0x14000;
	[sflag:s10] =	ssyncset.done @!p1 $0x0  }
0x1f5: {  	s23 =	simm.s32 @!p1 $0x1C200;
	[sflag:s10] =	ssyncadd.s32 @!p1 $0xFFFFFF00;
	s10 =	simm.s32 @!p1 $0x40  }
0x1f6: {  	[tilespmem:s23], [sflag:$0x7] =	stream.indirect.gather @!p1 [hbm4b:s15+s10], $0x40, s14, s10, $0xb8;
	[tilespmem:$0x1F290] =	vst v63  }
0x1f7: {  	s14 =	simm.s32 @!p1 $0x14040;
	s23 =	simm.s32 @!p1 $0x1D200  }
0x1f8: {  	[tilespmem:s23], [sflag:$0x8] =	stream.indirect.gather @!p1 [hbm4b:s17+s10], $0x40, s14, s10, $0xb8;
	[tilespmem:$0x1F290] =	vst v63  }
0x1f9: {  	s14 =	simm.s32 @!p1 $0x14080;
	s23 =	simm.s32 @!p1 $0x1E200  }
0x1fa: {  	[tilespmem:s23], [sflag:$0x9] =	stream.indirect.gather @!p1 [hbm4b:s18+s10], $0x40, s14, s10, $0xb8;
	[tilespmem:$0x1F290] =	vst v63  }
0x1fb: {  	_ =	swait.ge [sflag:s0], $0x2000  }
0x1fc: {  	[sflag:s0] =	ssyncset.done $0x0  }
0x1fd: {  	[sflag:s0] =	ssyncadd.s32 $0xFFFFE000  }
0x1fe: {  	s23 =	simm.s32 $0x0;
	_ =	swait.ge [sflag:s29], $0x2000  }
0x1ff: {  	v7 =	vmov s23;
	[sflag:s29] =	ssyncset.done $0x0  }
0x200: {  	s14 =	simm.s32 $0x16270;
	[sflag:s29] =	ssyncadd.s32 $0xFFFFE000  }
0x201: {  	s10 =	simm.s32 $0x1A270;
	v8 =	vld [tilespmem:s14+$0xFFFFFF90]  }
0x202: {  	v9 =	vld [tilespmem:s10+$0xFFFFFF90];
	_ =	sdelay $0x1  }
0x203: {  	v7 =	vld.idx.msk [tilespmem:v7+s21+$0x0], $0xffff;
	_ =	sdelay $0x2  }
0x204: {  	v8 =	vmul.f32 v9, v8;
	_ =	sdelay $0x1  }
0x205: {  	v8 =	vmul.f32 v8, v7;
	_ =	sdelay $0x1  }
0x206: {  	[tilespmem:s14+$0xFFFFFF90] =	vst v8;
	v8 =	vld [tilespmem:s14+$0xFFFFFFA0]  }
0x207: {  	v9 =	vld [tilespmem:s10+$0xFFFFFFA0];
	_ =	sdelay $0x4  }
0x208: {  	v8 =	vmul.f32 v9, v8;
	_ =	sdelay $0x1  }
0x209: {  	v8 =	vmul.f32 v8, v7;
	_ =	sdelay $0x1  }
0x20a: {  	[tilespmem:s14+$0xFFFFFFA0] =	vst v8;
	v8 =	vld [tilespmem:s14+$0xFFFFFFB0]  }
0x20b: {  	v9 =	vld [tilespmem:s10+$0xFFFFFFB0];
	_ =	sdelay $0x4  }
0x20c: {  	v8 =	vmul.f32 v9, v8;
	_ =	sdelay $0x1  }
0x20d: {  	v8 =	vmul.f32 v8, v7;
	_ =	sdelay $0x1  }
0x20e: {  	[tilespmem:s14+$0xFFFFFFB0] =	vst v8;
	v8 =	vld [tilespmem:s14+$0xFFFFFFC0]  }
0x20f: {  	v9 =	vld [tilespmem:s10+$0xFFFFFFC0];
	_ =	sdelay $0x4  }
0x210: {  	v8 =	vmul.f32 v9, v8;
	_ =	sdelay $0x1  }
0x211: {  	v8 =	vmul.f32 v8, v7;
	_ =	sdelay $0x1  }
0x212: {  	[tilespmem:s14+$0xFFFFFFC0] =	vst v8;
	v8 =	vld [tilespmem:s14+$0xFFFFFFD0]  }
0x213: {  	v9 =	vld [tilespmem:s10+$0xFFFFFFD0];
	_ =	sdelay $0x4  }
0x214: {  	v8 =	vmul.f32 v9, v8;
	_ =	sdelay $0x1  }
0x215: {  	v8 =	vmul.f32 v8, v7;
	_ =	sdelay $0x1  }
0x216: {  	[tilespmem:s14+$0xFFFFFFD0] =	vst v8;
	v8 =	vld [tilespmem:s14+$0xFFFFFFE0]  }
0x217: {  	v9 =	vld [tilespmem:s10+$0xFFFFFFE0];
	_ =	sdelay $0x4  }
0x218: {  	v8 =	vmul.f32 v9, v8;
	_ =	sdelay $0x1  }
0x219: {  	v8 =	vmul.f32 v8, v7;
	_ =	sdelay $0x1  }
0x21a: {  	[tilespmem:s14+$0xFFFFFFE0] =	vst v8;
	v8 =	vld [tilespmem:s14+$0xFFFFFFF0]  }
0x21b: {  	v9 =	vld [tilespmem:s10+$0xFFFFFFF0];
	_ =	sdelay $0x4  }
0x21c: {  	v8 =	vmul.f32 v9, v8;
	_ =	sdelay $0x1  }
0x21d: {  	v8 =	vmul.f32 v8, v7;
	_ =	sdelay $0x1  }
0x21e: {  	[tilespmem:s14+$0xFFFFFFF0] =	vst v8;
	v8 =	vld [tilespmem:s14+$0x0]  }
0x21f: {  	v9 =	vld [tilespmem:s10+$0x0];
	_ =	sdelay $0x4  }
0x220: {  	s23 =	simm.s32 $0x1;
	v9 =	vmul.f32 v9, v8  }
0x221: {  	s28 =	simm.s32 $0x16270;
	v8 =	vmov s23;
	s23 =	simm.s32 $0x2  }
.LBB2_11:
0x222: {  	p2 =	sne.s32 s23, $0x3F;
	v7 =	vmul.f32 v9, v7  }
0x223: {  	s14 =	sadd.s32 $0x80, s14  }
0x224: {  	s10 =	sadd.s32 $0x80, s10;
	v9 =	vld [tilespmem:s14+$0xFFFFFF90];
	[tilespmem:s28+$0x0] =	vst v7;
	s28 =	smov.u32 s14  }
0x225: {  	v10 =	vld [tilespmem:s10+$0xFFFFFF90]  }
0x226: {  	v7 =	vld.idx.msk [tilespmem:v8+s21+$0x0], $0xffff;
	_ =	sdelay $0x3  }
0x227: {  	v8 =	vmul.f32 v10, v9;
	_ =	sdelay $0x1  }
0x228: {  	v8 =	vmul.f32 v8, v7;
	_ =	sdelay $0x1  }
0x229: {  	[tilespmem:s14+$0xFFFFFF90] =	vst v8;
	v8 =	vld [tilespmem:s14+$0xFFFFFFA0]  }
0x22a: {  	v9 =	vld [tilespmem:s10+$0xFFFFFFA0];
	_ =	sdelay $0x4  }
0x22b: {  	v8 =	vmul.f32 v9, v8;
	_ =	sdelay $0x1  }
0x22c: {  	v8 =	vmul.f32 v8, v7;
	_ =	sdelay $0x1  }
0x22d: {  	[tilespmem:s14+$0xFFFFFFA0] =	vst v8;
	v8 =	vld [tilespmem:s14+$0xFFFFFFB0]  }
0x22e: {  	v9 =	vld [tilespmem:s10+$0xFFFFFFB0];
	_ =	sdelay $0x4  }
0x22f: {  	v8 =	vmul.f32 v9, v8;
	_ =	sdelay $0x1  }
0x230: {  	v8 =	vmul.f32 v8, v7;
	_ =	sdelay $0x1  }
0x231: {  	[tilespmem:s14+$0xFFFFFFB0] =	vst v8;
	v8 =	vld [tilespmem:s14+$0xFFFFFFC0]  }
0x232: {  	v9 =	vld [tilespmem:s10+$0xFFFFFFC0];
	_ =	sdelay $0x4  }
0x233: {  	v8 =	vmul.f32 v9, v8;
	_ =	sdelay $0x1  }
0x234: {  	v8 =	vmul.f32 v8, v7;
	_ =	sdelay $0x1  }
0x235: {  	[tilespmem:s14+$0xFFFFFFC0] =	vst v8;
	v8 =	vld [tilespmem:s14+$0xFFFFFFD0]  }
0x236: {  	v9 =	vld [tilespmem:s10+$0xFFFFFFD0];
	_ =	sdelay $0x4  }
0x237: {  	v8 =	vmul.f32 v9, v8;
	_ =	sdelay $0x1  }
0x238: {  	v8 =	vmul.f32 v8, v7;
	_ =	sdelay $0x1  }
0x239: {  	[tilespmem:s14+$0xFFFFFFD0] =	vst v8;
	v8 =	vld [tilespmem:s14+$0xFFFFFFE0]  }
0x23a: {  	v9 =	vld [tilespmem:s10+$0xFFFFFFE0];
	_ =	sdelay $0x4  }
0x23b: {  	v8 =	vmul.f32 v9, v8;
	_ =	sdelay $0x1  }
0x23c: {  	v8 =	vmul.f32 v8, v7;
	_ =	sdelay $0x1  }
0x23d: {  	[tilespmem:s14+$0xFFFFFFE0] =	vst v8;
	v8 =	vld [tilespmem:s14+$0xFFFFFFF0]  }
0x23e: {  	v9 =	vld [tilespmem:s10+$0xFFFFFFF0];
	_ =	sdelay $0x4  }
0x23f: {  	v8 =	vmul.f32 v9, v8;
	_ =	sdelay $0x1  }
0x240: {  	v8 =	vmul.f32 v8, v7;
	_ =	sdelay $0x1  }
0x241: {  	[tilespmem:s14+$0xFFFFFFF0] =	vst v8;
	v8 =	vld [tilespmem:s14+$0x0]  }
0x242: {  	v9 =	vld [tilespmem:s10+$0x0];
	_ =	sdelay $0x1  }
.Ltmp5:
0x243: {  	(pc) =	sbr.rel @p2 .LBB2_11-.Ltmp5, $3  }
0x244: {  	_ =	sdelay $0x1  }
0x245: {  	v9 =	vmul.f32 v9, v8  }
0x246: {  	v8 =	vmov s23;
	s23 =	sadd.s32 $0x1, s23  }
0x247: {  	v7 =	vmul.f32 v9, v7  }
0x248: {  	s14 =	sadd.s32 $0x80, s14  }
0x249: {  	s10 =	sadd.s32 $0x80, s10;
	v56 =	vld [tilespmem:s14+$0xFFFFFF90];
	[tilespmem:s28+$0x0] =	vst v7  }
0x24a: {  	v7 =	vld [tilespmem:s10+$0xFFFFFF90];
	_ =	sdelay $0x1  }
0x24b: {  	v8 =	vld.idx.msk [tilespmem:v8+s21+$0x0], $0xffff;
	_ =	sdelay $0x2  }
0x24c: {  	v7 =	vmul.f32 v7, v56;
	_ =	sdelay $0x1  }
0x24d: {  	v7 =	vmul.f32 v7, v8;
	_ =	sdelay $0x1  }
0x24e: {  	[tilespmem:s14+$0xFFFFFF90] =	vst v7;
	v7 =	vld [tilespmem:s14+$0xFFFFFFA0]  }
0x24f: {  	v57 =	vld [tilespmem:s10+$0xFFFFFFA0];
	_ =	sdelay $0x4  }
0x250: {  	v7 =	vmul.f32 v57, v7;
	_ =	sdelay $0x1  }
0x251: {  	v7 =	vmul.f32 v7, v8;
	_ =	sdelay $0x1  }
0x252: {  	[tilespmem:s14+$0xFFFFFFA0] =	vst v7;
	v7 =	vld [tilespmem:s14+$0xFFFFFFB0]  }
0x253: {  	v58 =	vld [tilespmem:s10+$0xFFFFFFB0];
	_ =	sdelay $0x4  }
0x254: {  	v7 =	vmul.f32 v58, v7;
	_ =	sdelay $0x1  }
0x255: {  	v7 =	vmul.f32 v7, v8;
	_ =	sdelay $0x1  }
0x256: {  	[tilespmem:s14+$0xFFFFFFB0] =	vst v7;
	v7 =	vld [tilespmem:s14+$0xFFFFFFC0]  }
0x257: {  	v59 =	vld [tilespmem:s10+$0xFFFFFFC0];
	_ =	sdelay $0x4  }
0x258: {  	v7 =	vmul.f32 v59, v7;
	_ =	sdelay $0x1  }
0x259: {  	v7 =	vmul.f32 v7, v8;
	_ =	sdelay $0x1  }
0x25a: {  	[tilespmem:s14+$0xFFFFFFC0] =	vst v7;
	v7 =	vld [tilespmem:s14+$0xFFFFFFD0]  }
0x25b: {  	v60 =	vld [tilespmem:s10+$0xFFFFFFD0];
	_ =	sdelay $0x4  }
0x25c: {  	v7 =	vmul.f32 v60, v7;
	_ =	sdelay $0x1  }
0x25d: {  	v7 =	vmul.f32 v7, v8;
	_ =	sdelay $0x1  }
0x25e: {  	[tilespmem:s14+$0xFFFFFFD0] =	vst v7;
	v7 =	vld [tilespmem:s14+$0xFFFFFFE0]  }
0x25f: {  	v61 =	vld [tilespmem:s10+$0xFFFFFFE0];
	_ =	sdelay $0x4  }
0x260: {  	v7 =	vmul.f32 v61, v7;
	_ =	sdelay $0x1  }
0x261: {  	v7 =	vmul.f32 v7, v8;
	_ =	sdelay $0x1  }
0x262: {  	[tilespmem:s14+$0xFFFFFFE0] =	vst v7;
	v7 =	vld [tilespmem:s14+$0xFFFFFFF0]  }
0x263: {  	v62 =	vld [tilespmem:s10+$0xFFFFFFF0];
	_ =	sdelay $0x4  }
0x264: {  	v7 =	vmul.f32 v62, v7;
	_ =	sdelay $0x1  }
0x265: {  	v7 =	vmul.f32 v7, v8;
	_ =	sdelay $0x1  }
0x266: {  	[tilespmem:s14+$0xFFFFFFF0] =	vst v7;
	v7 =	vld [tilespmem:s14+$0x0]  }
0x267: {  	v63 =	vld [tilespmem:s10+$0x0];
	_ =	sdelay $0x4  }
0x268: {  	v7 =	vmul.f32 v63, v7;
	_ =	sdelay $0x1  }
0x269: {  	v7 =	vmul.f32 v7, v8;
	_ =	sdelay $0x1  }
.Ltmp6:
0x26a: {  	[tilespmem:s14+$0x0] =	vst v7;
	(pc) =	sbr.rel @!p1 .LBB2_13-.Ltmp6, $4  }
0x26b: {  	[spmem:s12] =	stream.linear.scatter [tilespmem:s30], [sflag:$0xA], $0x2000, $0x38;
	[tilespmem:$0x1F290] =	vst v63  }
0x26c: {  	_ =	swait.ge [sflag:s26], $0x2000  }
0x26d: {  	[sflag:s26] =	ssyncset.done $0x0  }
0x26e: {  	[sflag:s26] =	ssyncadd.s32 $0xFFFFE000  }
.Ltmp7:
0x26f: {  	(pc) =	sbr.rel @!p0 .LBB2_15-.Ltmp7, $1  }
0x270: {  	_ =	sdelay $0x3  }
0x271: {  	s3 =	stileid.u32;
	[bflag:$0x0] =	sbarrier.arrive $0xFFFF  }
0x272: {  	s3 =	sshll.u32 s3, $0x6;
	s10 =	rddreg [dreg:$0x5]  }
0x273: {  	s11 =	rddreg [dreg:$0x13];
	s3 =	sor.u32 $0x1C0A, s3  }
0x274: {  	[hbm:s10], [sflag:s3] =	dma.local [spmem:s11], $0x400  }
0x275: {  	_ =	swait.ge [sflag:s26], $0x400  }
0x276: {  	[sflag:s26] =	ssyncset.done $0x0;
	s11 =	rddreg [dreg:$0x6]  }
0x277: {  	s14 =	rddreg [dreg:$0x14];
	[sflag:s26] =	ssyncadd.s32 $0xFFFFFC00  }
0x278: {  	[hbm:s11], [sflag:s3] =	dma.local [spmem:s14], $0x400  }
0x279: {  	_ =	swait.ge [sflag:s26], $0x400  }
0x27a: {  	[sflag:s26] =	ssyncset.done $0x0;
	s23 =	rddreg [dreg:$0x7]  }
0x27b: {  	s28 =	rddreg [dreg:$0x15];
	[sflag:s26] =	ssyncadd.s32 $0xFFFFFC00  }
0x27c: {  	[hbm:s23], [sflag:s3] =	dma.local [spmem:s28], $0x400  }
0x27d: {  	_ =	swait.ge [sflag:s26], $0x400  }
0x27e: {  	[sflag:s26] =	ssyncset.done $0x0;
	s11 =	rddreg [dreg:$0x8]  }
0x27f: {  	s14 =	rddreg [dreg:$0x16];
	[sflag:s26] =	ssyncadd.s32 $0xFFFFFC00  }
0x280: {  	[hbm:s11], [sflag:s3] =	dma.local [spmem:s14], $0x400  }
0x281: {  	_ =	swait.ge [sflag:s26], $0x400  }
0x282: {  	[sflag:s26] =	ssyncset.done $0x0;
	s23 =	rddreg [dreg:$0x9]  }
0x283: {  	s28 =	rddreg [dreg:$0x17];
	[sflag:s26] =	ssyncadd.s32 $0xFFFFFC00  }
0x284: {  	[hbm:s23], [sflag:s3] =	dma.local [spmem:s28], $0x400  }
0x285: {  	_ =	swait.ge [sflag:s26], $0x400  }
0x286: {  	[sflag:s26] =	ssyncset.done $0x0;
	s11 =	rddreg [dreg:$0xa]  }
0x287: {  	s14 =	rddreg [dreg:$0x18];
	[sflag:s26] =	ssyncadd.s32 $0xFFFFFC00  }
0x288: {  	[hbm:s11], [sflag:s3] =	dma.local [spmem:s14], $0x400  }
0x289: {  	_ =	swait.ge [sflag:s26], $0x400  }
0x28a: {  	[sflag:s26] =	ssyncset.done $0x0;
	s23 =	rddreg [dreg:$0xb]  }
0x28b: {  	s28 =	rddreg [dreg:$0x19];
	[sflag:s26] =	ssyncadd.s32 $0xFFFFFC00  }
0x28c: {  	[hbm:s23], [sflag:s3] =	dma.local [spmem:s28], $0x400  }
0x28d: {  	_ =	swait.ge [sflag:s26], $0x400  }
0x28e: {  	[sflag:s26] =	ssyncset.done $0x0;
	s11 =	rddreg [dreg:$0xc]  }
0x28f: {  	s14 =	rddreg [dreg:$0x1a];
	[sflag:s26] =	ssyncadd.s32 $0xFFFFFC00  }
0x290: {  	[hbm:s11], [sflag:s3] =	dma.local [spmem:s14], $0x400  }
0x291: {  	_ =	swait.ge [sflag:s26], $0x400  }
0x292: {  	[sflag:s26] =	ssyncset.done $0x0;
	s23 =	rddreg [dreg:$0xd]  }
0x293: {  	s28 =	rddreg [dreg:$0x1b];
	[sflag:s26] =	ssyncadd.s32 $0xFFFFFC00  }
0x294: {  	[hbm:s23], [sflag:s3] =	dma.local [spmem:s28], $0x400  }
0x295: {  	_ =	swait.ge [sflag:s26], $0x400  }
0x296: {  	[sflag:s26] =	ssyncset.done $0x0;
	s11 =	rddreg [dreg:$0xe]  }
0x297: {  	s14 =	rddreg [dreg:$0x1c];
	[sflag:s26] =	ssyncadd.s32 $0xFFFFFC00  }
0x298: {  	[hbm:s11], [sflag:s3] =	dma.local [spmem:s14], $0x400  }
0x299: {  	_ =	swait.ge [sflag:s26], $0x400  }
0x29a: {  	s23 =	sld [smem:$0x7F6];
	_ =	sdelay $0x2  }
0x29b: {  	s28 =	rddreg [dreg:$0x12];
	s10 =	sadd.s32 $0x1, s23  }
0x29c: {  	p0 =	sne.s32 s10, s28  }
.Ltmp8:
0x29d: {  	_ = 	snop;
	(pc) =	sbr.rel @p0 .LBB2_1-.Ltmp8, $3  }
0x29e: {  	_ =	sdelay $0x1  }
0x29f: {  	[sflag:s26] =	ssyncset.done $0x0  }
0x2a0: {  	[sflag:s26] =	ssyncadd.s32 $0xFFFFFC00  }
0x2a1: {  	_ =	sfence.sel $0x180000  }
0x2a2: {  	[bflag:$0x0] =	sbarrier.arrive $0xFFFF  }
0x2a3: {  	_ =	strace $0x90000047  }
0x2a4: {  	s0 =	stileid.u32;
	[bflag:$0x2] =	sbarrier.arrive $0xFFFF  }
0x2a5: {  	p0 =	sne.s32 s0, $0x0;
	s0 =	rddreg [dreg:$0x4]  }
0x2a6: {  	s0 =	sadd.s32 @!p0 $0x100000, s0  }
0x2a7: {  	[sflag:s0] =	ssyncadd.tile.s32 @!p0 $0x1;
	_ =	shalt  }
.Lfunc_end2:
_tile_overlayer_lowered:
.L_overlay_start_2:
0x2a8: {  	(tag) =	ssettag $0x2  }
0x2a9: {  	s0 =	rddreg [dreg:$0x0];
	s2 =	stileid.u32  }
0x2aa: {  	s1 =	rddreg [dreg:$0x1];
	p0 =	sne.s32 s2, $0x0  }
0x2ab: {  	s3 =	rddreg [dreg:$0x2];
	[bflag:$0x3] =	sbarrier.arrive $0xFFFF;
	s2 =	simm.s32 @!p0 $0x1C0A  }
0x2ac: {  	[timem:s3], [sflag:s2] =	dma.local @!p0 [hbm:s0], s1  }
0x2ad: {  	s0 =	simm.s32 @!p0 $0xA  }
0x2ae: {  	_ =	swait.ge @!p0 [sflag:s0], s1  }
0x2af: {  	s1 =	ssub.s32 @!p0 $0x0, s1;
	[sflag:s0] =	ssyncset.done @!p0 $0x0  }
0x2b0: {  	[sflag:s0] =	ssyncadd.s32 @!p0 s1  }
0x2b1: {  	[bflag:$0x3] =	sbarrier.arrive $0xFFFF  }
0x2b2: {  	_ =	shalt  }

</sc_bundles>
